<compile_context>
chip_gen: v7x
topology: tpu7x:2x2x1
jax: 0.10.2.dev20260603
libtpu: 0.0.44.dev20260713+nightly
codegen_flags: <defaults>
</compile_context>

<pallas_src>
import functools

import jax
import jax.numpy as jnp
from jax import lax
from jax.experimental import pallas as pl
from jax.experimental.pallas import tpu as pltpu
from jax.experimental.pallas import tpu_sc as plsc

_N_NODES = 100000
_N_EDGES = 6400000
_NUM_ELEMENTS = 10
_N_SPECIES = 119

_NODE_BLOCK = 10000

_NW = 32
_CHUNK = 2048
_NCG = _N_EDGES // _CHUNK
_SLOTS = (_NCG + _NW - 1) // _NW
_SLOTS += _SLOTS % 2
_PAIRS = _SLOTS // 2
_L = 16
_UNROLL = 8


def _node_rad_body(attrs_ref, an_ref, cr_ref, out_ref):
    attrs = attrs_ref[...]
    an = an_ref[...]
    cr = cr_ref[...]
    bn = attrs.shape[0]
    ei = lax.broadcasted_iota(jnp.int32, (bn, _NUM_ELEMENTS), 1)
    rowmax = jnp.max(attrs, axis=1, keepdims=True)
    first = jnp.min(
        jnp.where(attrs == rowmax, ei, _NUM_ELEMENTS), axis=1, keepdims=True
    )
    z = jnp.sum(jnp.where(ei == first, an, 0), axis=1, keepdims=True)
    zi = lax.broadcasted_iota(jnp.int32, (bn, _N_SPECIES), 1)
    rad = jnp.sum(jnp.where(zi == z, cr, 0.0), axis=1, keepdims=True)
    out_ref[...] = rad


def _node_rad_call(node_attrs, atomic_numbers, covalent_radii):
    n = node_attrs.shape[0]
    grid = n // _NODE_BLOCK
    return pl.pallas_call(
        _node_rad_body,
        grid=(grid,),
        in_specs=[
            pl.BlockSpec((_NODE_BLOCK, _NUM_ELEMENTS), lambda i: (i, 0)),
            pl.BlockSpec((1, _NUM_ELEMENTS), lambda i: (0, 0)),
            pl.BlockSpec((1, _N_SPECIES), lambda i: (0, 0)),
        ],
        out_specs=pl.BlockSpec((_NODE_BLOCK, 1), lambda i: (i, 0)),
        out_shape=jax.ShapeDtypeStruct((n, 1), jnp.float32),
    )(node_attrs, atomic_numbers.reshape(1, -1), covalent_radii.reshape(1, -1))


def _edge_body(rad_hbm, ei_hbm, x_hbm, out_hbm,
               rad_v, ei_a, x_a, o_a, ei_b, x_b, o_b,
               sem_in_a, sem_in_b, sem_out_a, sem_out_b):
    wid = lax.axis_index("s") * 2 + lax.axis_index("c")

    def valid(j):
        return j * _NW + wid < _NCG

    def cbase(j):
        return (j * _NW + wid) * _CHUNK

    def issue_in(j, ei_v, x_v, sem):
        @pl.when(valid(j))
        def _():
            base = cbase(j)
            pltpu.async_copy(ei_hbm.at[:, pl.ds(base, _CHUNK)], ei_v, sem)
            pltpu.async_copy(x_hbm.at[pl.ds(base, _CHUNK)], x_v, sem)

    def wait_in(j, ei_v, x_v, sem):
        @pl.when(valid(j))
        def _():
            pltpu.make_async_copy(ei_hbm.at[:, pl.ds(0, _CHUNK)], ei_v, sem).wait()
            pltpu.make_async_copy(x_hbm.at[pl.ds(0, _CHUNK)], x_v, sem).wait()

    def wait_out(cond, o_v, sem):
        @pl.when(cond)
        def _():
            pltpu.make_async_copy(o_v, out_hbm.at[pl.ds(0, _CHUNK)], sem).wait()

    def compute_and_out(j, ei_v, x_v, o_v, sem_out):
        @pl.when(valid(j))
        def _():
            @plsc.parallel_loop(0, _CHUNK, step=_L, unroll=_UNROLL)
            def step(i):
                si = ei_v[0, pl.ds(i, _L)]
                ri = ei_v[1, pl.ds(i, _L)]
                ra = plsc.load_gather(rad_v, [si])
                rb = plsc.load_gather(rad_v, [ri])
                r0 = ra + rb
                xv = x_v[pl.ds(i, _L)]
                t = (100.0 / 7.0) - (96.0 / 7.0) * (xv / r0)
                p0 = 0.75 * r0
                o_v[pl.ds(i, _L)] = p0 + (xv - p0) / (1.0 + jnp.exp(t))

            pltpu.async_copy(o_v, out_hbm.at[pl.ds(cbase(j), _CHUNK)], sem_out)

    pltpu.sync_copy(rad_hbm, rad_v)
    issue_in(0, ei_a, x_a, sem_in_a)
    issue_in(1, ei_b, x_b, sem_in_b)

    def pair(k, carry):
        ja = 2 * k
        jb = 2 * k + 1
        wait_in(ja, ei_a, x_a, sem_in_a)
        wait_out(jnp.logical_and(k > 0, valid(ja - 2)), o_a, sem_out_a)
        compute_and_out(ja, ei_a, x_a, o_a, sem_out_a)
        issue_in(ja + 2, ei_a, x_a, sem_in_a)
        wait_in(jb, ei_b, x_b, sem_in_b)
        wait_out(jnp.logical_and(k > 0, valid(jb - 2)), o_b, sem_out_b)
        compute_and_out(jb, ei_b, x_b, o_b, sem_out_b)
        issue_in(jb + 2, ei_b, x_b, sem_in_b)
        return carry

    lax.fori_loop(0, _PAIRS, pair, 0)
    wait_out(valid(_SLOTS - 2), o_a, sem_out_a)
    wait_out(valid(_SLOTS - 1), o_b, sem_out_b)


def _edge_call(rad, edge_index, xf):
    mesh = plsc.VectorSubcoreMesh(core_axis_name="c", subcore_axis_name="s")
    return pl.kernel(
        _edge_body,
        out_type=jax.ShapeDtypeStruct((_N_EDGES,), jnp.float32),
        mesh=mesh,
        scratch_types=[
            pltpu.VMEM((_N_NODES,), jnp.float32),
            pltpu.VMEM((2, _CHUNK), jnp.int32),
            pltpu.VMEM((_CHUNK,), jnp.float32),
            pltpu.VMEM((_CHUNK,), jnp.float32),
            pltpu.VMEM((2, _CHUNK), jnp.int32),
            pltpu.VMEM((_CHUNK,), jnp.float32),
            pltpu.VMEM((_CHUNK,), jnp.float32),
            pltpu.SemaphoreType.DMA,
            pltpu.SemaphoreType.DMA,
            pltpu.SemaphoreType.DMA,
            pltpu.SemaphoreType.DMA,
        ],
        compiler_params=pltpu.CompilerParams(needs_layout_passes=False),
    )(rad, edge_index, xf)


def kernel(x, node_attrs, edge_index, atomic_numbers, covalent_radii):
    rad = _node_rad_call(node_attrs, atomic_numbers, covalent_radii)
    out = _edge_call(rad.reshape(-1), edge_index, x.reshape(-1))
    return out.reshape(-1, 1)

# --- scband reference (transcript-rebuilt; emitter-appended) ---
"""Pipeline reference for scband-soft-transform-28939489641139 (READ-ONLY COPY).

The authoritative reference and input builder live on the scoring server;
editing this copy changes nothing except your own understanding.
"""

import jax, jax.numpy as jnp
import numpy as np

ALPHA = 4.0
N_NODES = 100000
N_EDGES = 6400000
NUM_ELEMENTS = 10
N_SPECIES_TABLE = 119  # len(ase.data.covalent_radii)


def setup_inputs(seed: int = 0) -> dict:
    key = jax.random.key(seed)
    k1, k2, k3, k4, k5 = jax.random.split(key, 5)
    x = jax.random.uniform(k1, (N_EDGES, 1), dtype=jnp.float32)  # per-edge distances
    node_attrs = jax.random.uniform(k2, (N_NODES, NUM_ELEMENTS), dtype=jnp.float32)
    edge_index = jax.random.randint(k3, (2, N_EDGES), 0, N_NODES, dtype=jnp.int32)
    atomic_numbers = jax.random.randint(k4, (NUM_ELEMENTS,), 1, N_SPECIES_TABLE, dtype=jnp.int32)
    # stand-in for ase.data.covalent_radii buffer (same shape/dtype, positive radii)
    covalent_radii = 0.2 + 2.0 * jax.random.uniform(k5, (N_SPECIES_TABLE,), dtype=jnp.float32)
    return {
        "x": x,
        "node_attrs": node_attrs,
        "edge_index": edge_index,
        "atomic_numbers": atomic_numbers,
        "covalent_radii": covalent_radii,
    }


def compute_r_0(node_attrs, edge_index, atomic_numbers, covalent_radii):
    sender = edge_index[0]
    receiver = edge_index[1]
    node_attrs_index = jnp.argmax(node_attrs, axis=1)
    node_atomic_numbers = atomic_numbers[
        node_attrs_index.astype(jnp.int32).reshape(-1)
    ].reshape(-1, 1)
    Z_u = node_atomic_numbers[sender].astype(jnp.int32)
    Z_v = node_atomic_numbers[receiver].astype(jnp.int32)
    return covalent_radii[Z_u] + covalent_radii[Z_v]


def reference(x, node_attrs, edge_index, atomic_numbers, covalent_radii):
    dtype = x.dtype
    r_0 = compute_r_0(node_attrs, edge_index, atomic_numbers, covalent_radii).astype(dtype)
    p_0 = (3.0 / 4.0) * r_0
    p_1 = (4.0 / 3.0) * r_0
    m = 0.5 * (p_0 + p_1)
    alpha_param = jnp.array(ALPHA, dtype=dtype)
    alpha = alpha_param / (p_1 - p_0)
    s_x = 0.5 * (1.0 + jnp.tanh(alpha * (x - m)))
    return p_0 + (x - p_0) * s_x

if __name__ == "__main__":
    import jax
    _d = setup_inputs()
    print(jax.jit(kernel)(*tuple(_d.values())))

</pallas_src>

<mosaic_0001>
#map = affine_map<(d0, d1) -> (0)>
#map1 = affine_map<(d0, d1) -> (0, 0)>
module attributes {stable_mosaic.version = 14 : i64} {
  func.func @_edge_body(%arg0: i32, %arg1: i32, %arg2: memref<100000xf32, #tpu.memory_space<hbm>>, %arg3: memref<2x6400000xi32, #tpu.memory_space<hbm>>, %arg4: memref<6400000xf32, #tpu.memory_space<hbm>>, %arg5: memref<6400000xf32, #tpu.memory_space<hbm>>, %arg6: memref<100000xf32, #tpu.memory_space<vmem>>, %arg7: memref<2x2048xi32, #tpu.memory_space<vmem>>, %arg8: memref<2048xf32, #tpu.memory_space<vmem>>, %arg9: memref<2048xf32, #tpu.memory_space<vmem>>, %arg10: memref<2x2048xi32, #tpu.memory_space<vmem>>, %arg11: memref<2048xf32, #tpu.memory_space<vmem>>, %arg12: memref<2048xf32, #tpu.memory_space<vmem>>, %arg13: memref<!tpu.dma_semaphore, #tpu.memory_space<semaphore_mem>>, %arg14: memref<!tpu.dma_semaphore, #tpu.memory_space<semaphore_mem>>, %arg15: memref<!tpu.dma_semaphore, #tpu.memory_space<semaphore_mem>>, %arg16: memref<!tpu.dma_semaphore, #tpu.memory_space<semaphore_mem>>) attributes {dimension_semantics = [#tpu.dimension_semantics<core_parallel>, #tpu.dimension_semantics<subcore_parallel>], iteration_bounds = array<i64: 2, 16>, scalar_prefetch = 0 : i64, scratch_operands = 11 : i64, tpu.core_type = #tpu.core_type<sc_vector_subcore>, window_params = [{transform_indices = #map}, {transform_indices = #map1}, {transform_indices = #map}, {transform_indices = #map}]} {
    %mul3A = arith.constant 2 : i32
    %mul3A_0 = arith.muli %arg1, %mul3A : i32
    %add3A = arith.addi %mul3A_0, %arg0 : i32
    "tpu.region"() ({
      %run_scoped3A = tpu.sem_alloc : memref<!tpu.dma_semaphore, #tpu.memory_space<semaphore_mem>>
      tpu.enqueue_dma source(%arg2 : memref<100000xf32, #tpu.memory_space<hbm>>) target(%arg6 : memref<100000xf32, #tpu.memory_space<vmem>>) target_semaphore(%run_scoped3A : memref<!tpu.dma_semaphore, #tpu.memory_space<semaphore_mem>>)
      tpu.wait_dma2 semaphore(%run_scoped3A : memref<!tpu.dma_semaphore, #tpu.memory_space<semaphore_mem>>) src(%arg2 : memref<100000xf32, #tpu.memory_space<hbm>>) dst(%arg6 : memref<100000xf32, #tpu.memory_space<vmem>>)
      tpu.yield
    }) : () -> ()
    %add3A_1 = arith.constant 0 : i32
    %add3A_2 = arith.addi %add3A_1, %add3A : i32
    %lt3A = arith.constant 3125 : i32
    %lt3A_3 = arith.cmpi slt, %add3A_2, %lt3A : i32
    %convert_element_type3A = arith.extui %lt3A_3 : i1 to i32
    %cond3A = arith.constant 0 : i32
    %cond3A_4 = arith.cmpi ne, %convert_element_type3A, %cond3A : i32
    scf.if %cond3A_4 {
      %add3A_31 = arith.constant 0 : i32
      %add3A_32 = arith.addi %add3A_31, %add3A : i32
      %mul3A_33 = arith.constant 2048 : i32
      %mul3A_34 = arith.muli %add3A_32, %mul3A_33 : i32
      %dma_start3A = arith.constant 0 : i32
      %dma_start3A_35 = tpu.memref_slice %arg3[%dma_start3A, %mul3A_34] : memref<2x6400000xi32, #tpu.memory_space<hbm>> -> memref<2x2048xi32, #tpu.memory_space<hbm>>
      %dma_start3A_36 = arith.constant 0 : i32
      %dma_start3A_37 = tpu.memref_slice %arg3[%dma_start3A_36, %mul3A_34] : memref<2x6400000xi32, #tpu.memory_space<hbm>> -> memref<2x2048xi32, #tpu.memory_space<hbm>>
      tpu.enqueue_dma source(%dma_start3A_37 : memref<2x2048xi32, #tpu.memory_space<hbm>>) target(%arg7 : memref<2x2048xi32, #tpu.memory_space<vmem>>) target_semaphore(%arg13 : memref<!tpu.dma_semaphore, #tpu.memory_space<semaphore_mem>>)
      %dma_start3A_38 = tpu.memref_slice %arg4[%mul3A_34] : memref<6400000xf32, #tpu.memory_space<hbm>> -> memref<2048xf32, #tpu.memory_space<hbm>>
      %dma_start3A_39 = tpu.memref_slice %arg4[%mul3A_34] : memref<6400000xf32, #tpu.memory_space<hbm>> -> memref<2048xf32, #tpu.memory_space<hbm>>
      tpu.enqueue_dma source(%dma_start3A_39 : memref<2048xf32, #tpu.memory_space<hbm>>) target(%arg8 : memref<2048xf32, #tpu.memory_space<vmem>>) target_semaphore(%arg13 : memref<!tpu.dma_semaphore, #tpu.memory_space<semaphore_mem>>)
    } else {
    }
    %add3A_5 = arith.constant 32 : i32
    %add3A_6 = arith.addi %add3A_5, %add3A : i32
    %lt3A_7 = arith.constant 3125 : i32
    %lt3A_8 = arith.cmpi slt, %add3A_6, %lt3A_7 : i32
    %convert_element_type3A_9 = arith.extui %lt3A_8 : i1 to i32
    %cond3A_10 = arith.constant 0 : i32
    %cond3A_11 = arith.cmpi ne, %convert_element_type3A_9, %cond3A_10 : i32
    scf.if %cond3A_11 {
      %add3A_31 = arith.constant 32 : i32
      %add3A_32 = arith.addi %add3A_31, %add3A : i32
      %mul3A_33 = arith.constant 2048 : i32
      %mul3A_34 = arith.muli %add3A_32, %mul3A_33 : i32
      %dma_start3A = arith.constant 0 : i32
      %dma_start3A_35 = tpu.memref_slice %arg3[%dma_start3A, %mul3A_34] : memref<2x6400000xi32, #tpu.memory_space<hbm>> -> memref<2x2048xi32, #tpu.memory_space<hbm>>
      %dma_start3A_36 = arith.constant 0 : i32
      %dma_start3A_37 = tpu.memref_slice %arg3[%dma_start3A_36, %mul3A_34] : memref<2x6400000xi32, #tpu.memory_space<hbm>> -> memref<2x2048xi32, #tpu.memory_space<hbm>>
      tpu.enqueue_dma source(%dma_start3A_37 : memref<2x2048xi32, #tpu.memory_space<hbm>>) target(%arg10 : memref<2x2048xi32, #tpu.memory_space<vmem>>) target_semaphore(%arg14 : memref<!tpu.dma_semaphore, #tpu.memory_space<semaphore_mem>>)
      %dma_start3A_38 = tpu.memref_slice %arg4[%mul3A_34] : memref<6400000xf32, #tpu.memory_space<hbm>> -> memref<2048xf32, #tpu.memory_space<hbm>>
      %dma_start3A_39 = tpu.memref_slice %arg4[%mul3A_34] : memref<6400000xf32, #tpu.memory_space<hbm>> -> memref<2048xf32, #tpu.memory_space<hbm>>
      tpu.enqueue_dma source(%dma_start3A_39 : memref<2048xf32, #tpu.memory_space<hbm>>) target(%arg11 : memref<2048xf32, #tpu.memory_space<vmem>>) target_semaphore(%arg14 : memref<!tpu.dma_semaphore, #tpu.memory_space<semaphore_mem>>)
    } else {
    }
    %scan3A = arith.constant 0 : i32
    %scan3A_12 = arith.constant 0 : i32
    %scan3A_13 = arith.constant 49 : i32
    %scan3A_14 = arith.addi %scan3A_12, %scan3A_13 : i32
    %scan3A_15 = arith.constant 1 : i32
    scf.for %scan3A_31 = %scan3A_12 to %scan3A_14 step %scan3A_15  : i32 {
      %mul3A_32 = arith.constant 2 : i32
      %mul3A_33 = arith.muli %mul3A_32, %scan3A_31 : i32
      %mul3A_34 = arith.constant 2 : i32
      %mul3A_35 = arith.muli %mul3A_34, %scan3A_31 : i32
      %add3A_36 = arith.constant 1 : i32
      %add3A_37 = arith.addi %mul3A_35, %add3A_36 : i32
      %mul3A_38 = arith.constant 32 : i32
      %mul3A_39 = arith.muli %mul3A_33, %mul3A_38 : i32
      %add3A_40 = arith.addi %mul3A_39, %add3A : i32
      %lt3A_41 = arith.constant 3125 : i32
      %lt3A_42 = arith.cmpi slt, %add3A_40, %lt3A_41 : i32
      %convert_element_type3A_43 = arith.extui %lt3A_42 : i1 to i32
      %cond3A_44 = arith.constant 0 : i32
      %cond3A_45 = arith.cmpi ne, %convert_element_type3A_43, %cond3A_44 : i32
      scf.if %cond3A_45 {
        %dma_wait3A = arith.constant 0 : i32
        %dma_wait3A_113 = arith.constant 0 : i32
        %dma_wait3A_114 = tpu.memref_slice %arg3[%dma_wait3A, %dma_wait3A_113] : memref<2x6400000xi32, #tpu.memory_space<hbm>> -> memref<2x2048xi32, #tpu.memory_space<hbm>>
        %dma_wait3A_115 = arith.constant 0 : i32
        %dma_wait3A_116 = arith.constant 0 : i32
        %dma_wait3A_117 = tpu.memref_slice %arg3[%dma_wait3A_115, %dma_wait3A_116] : memref<2x6400000xi32, #tpu.memory_space<hbm>> -> memref<2x2048xi32, #tpu.memory_space<hbm>>
        tpu.wait_dma2 semaphore(%arg13 : memref<!tpu.dma_semaphore, #tpu.memory_space<semaphore_mem>>) src(%dma_wait3A_117 : memref<2x2048xi32, #tpu.memory_space<hbm>>) dst(%arg7 : memref<2x2048xi32, #tpu.memory_space<vmem>>)
        %dma_wait3A_118 = arith.constant 0 : i32
        %dma_wait3A_119 = tpu.memref_slice %arg4[%dma_wait3A_118] : memref<6400000xf32, #tpu.memory_space<hbm>> -> memref<2048xf32, #tpu.memory_space<hbm>>
        %dma_wait3A_120 = arith.constant 0 : i32
        %dma_wait3A_121 = tpu.memref_slice %arg4[%dma_wait3A_120] : memref<6400000xf32, #tpu.memory_space<hbm>> -> memref<2048xf32, #tpu.memory_space<hbm>>
        tpu.wait_dma2 semaphore(%arg13 : memref<!tpu.dma_semaphore, #tpu.memory_space<semaphore_mem>>) src(%dma_wait3A_121 : memref<2048xf32, #tpu.memory_space<hbm>>) dst(%arg8 : memref<2048xf32, #tpu.memory_space<vmem>>)
      } else {
      }
      %gt3A = arith.constant 0 : i32
      %gt3A_46 = arith.cmpi sgt, %scan3A_31, %gt3A : i32
      %sub3A = arith.constant 2 : i32
      %sub3A_47 = arith.subi %mul3A_33, %sub3A : i32
      %mul3A_48 = arith.constant 32 : i32
      %mul3A_49 = arith.muli %sub3A_47, %mul3A_48 : i32
      %add3A_50 = arith.addi %mul3A_49, %add3A : i32
      %lt3A_51 = arith.constant 3125 : i32
      %lt3A_52 = arith.cmpi slt, %add3A_50, %lt3A_51 : i32
      %and3A = arith.andi %gt3A_46, %lt3A_52 : i1
      %convert_element_type3A_53 = arith.extui %and3A : i1 to i32
      %cond3A_54 = arith.constant 0 : i32
      %cond3A_55 = arith.cmpi ne, %convert_element_type3A_53, %cond3A_54 : i32
      scf.if %cond3A_55 {
        %dma_wait3A = arith.constant 0 : i32
        %dma_wait3A_113 = tpu.memref_slice %arg5[%dma_wait3A] : memref<6400000xf32, #tpu.memory_space<hbm>> -> memref<2048xf32, #tpu.memory_space<hbm>>
        %dma_wait3A_114 = arith.constant 0 : i32
        %dma_wait3A_115 = tpu.memref_slice %arg5[%dma_wait3A_114] : memref<6400000xf32, #tpu.memory_space<hbm>> -> memref<2048xf32, #tpu.memory_space<hbm>>
        tpu.wait_dma2 semaphore(%arg15 : memref<!tpu.dma_semaphore, #tpu.memory_space<semaphore_mem>>) src(%arg9 : memref<2048xf32, #tpu.memory_space<vmem>>) dst(%dma_wait3A_115 : memref<2048xf32, #tpu.memory_space<hbm>>)
      } else {
      }
      %mul3A_56 = arith.constant 32 : i32
      %mul3A_57 = arith.muli %mul3A_33, %mul3A_56 : i32
      %add3A_58 = arith.addi %mul3A_57, %add3A : i32
      %lt3A_59 = arith.constant 3125 : i32
      %lt3A_60 = arith.cmpi slt, %add3A_58, %lt3A_59 : i32
      %convert_element_type3A_61 = arith.extui %lt3A_60 : i1 to i32
      %cond3A_62 = arith.constant 0 : i32
      %cond3A_63 = arith.cmpi ne, %convert_element_type3A_61, %cond3A_62 : i32
      scf.if %cond3A_63 {
        %parallel_loop3A = arith.constant 0 : i32
        %parallel_loop3A_113 = arith.constant 2048 : i32
        %parallel_loop3A_114 = arith.constant 16 : i32
        scf.for %parallel_loop3A_121 = %parallel_loop3A to %parallel_loop3A_113 step %parallel_loop3A_114  : i32 {
          %parallel_loop3A_122 = arith.constant 0 : i32
          %parallel_loop3A_123 = arith.index_cast %parallel_loop3A_122 : i32 to index
          %parallel_loop3A_124 = arith.index_cast %parallel_loop3A_121 : i32 to index
          %parallel_loop3A_125 = tpu.vector_load %arg7[%parallel_loop3A_123, %parallel_loop3A_124] {strides = array<i32>} : memref<2x2048xi32, #tpu.memory_space<vmem>>, vector<16xi32>,
          %parallel_loop3A_126 = arith.constant 1 : i32
          %parallel_loop3A_127 = arith.index_cast %parallel_loop3A_126 : i32 to index
          %parallel_loop3A_128 = arith.index_cast %parallel_loop3A_121 : i32 to index
          %parallel_loop3A_129 = tpu.vector_load %arg7[%parallel_loop3A_127, %parallel_loop3A_128] {strides = array<i32>} : memref<2x2048xi32, #tpu.memory_space<vmem>>, vector<16xi32>,
          %parallel_loop3A_130 = tpu.vector_load_idx %arg6[%parallel_loop3A_125] : memref<100000xf32, #tpu.memory_space<vmem>>[vector<16xi32>], vector<16xf32>,
          %parallel_loop3A_131 = tpu.vector_load_idx %arg6[%parallel_loop3A_129] : memref<100000xf32, #tpu.memory_space<vmem>>[vector<16xi32>], vector<16xf32>,
          %parallel_loop3A_132 = arith.addf %parallel_loop3A_130, %parallel_loop3A_131 : vector<16xf32>
          %parallel_loop3A_133 = arith.index_cast %parallel_loop3A_121 : i32 to index
          %parallel_loop3A_134 = tpu.vector_load %arg8[%parallel_loop3A_133] {strides = array<i32>} : memref<2048xf32, #tpu.memory_space<vmem>>, vector<16xf32>,
          %parallel_loop3A_135 = arith.divf %parallel_loop3A_134, %parallel_loop3A_132 : vector<16xf32>
          %parallel_loop3A_136 = arith.constant 13.7142859 : f32
          %parallel_loop3A_137 = vector.broadcast %parallel_loop3A_136 : f32 to vector<16xf32>
          %parallel_loop3A_138 = arith.mulf %parallel_loop3A_137, %parallel_loop3A_135 : vector<16xf32>
          %parallel_loop3A_139 = arith.constant 14.2857141 : f32
          %parallel_loop3A_140 = vector.broadcast %parallel_loop3A_139 : f32 to vector<16xf32>
          %parallel_loop3A_141 = arith.subf %parallel_loop3A_140, %parallel_loop3A_138 : vector<16xf32>
          %parallel_loop3A_142 = arith.constant 7.500000e-01 : f32
          %parallel_loop3A_143 = vector.broadcast %parallel_loop3A_142 : f32 to vector<16xf32>
          %parallel_loop3A_144 = arith.mulf %parallel_loop3A_143, %parallel_loop3A_132 : vector<16xf32>
          %parallel_loop3A_145 = arith.subf %parallel_loop3A_134, %parallel_loop3A_144 : vector<16xf32>
          %parallel_loop3A_146 = math.exp %parallel_loop3A_141 : vector<16xf32>
          %parallel_loop3A_147 = arith.constant 1.000000e+00 : f32
          %parallel_loop3A_148 = vector.broadcast %parallel_loop3A_147 : f32 to vector<16xf32>
          %parallel_loop3A_149 = arith.addf %parallel_loop3A_148, %parallel_loop3A_146 : vector<16xf32>
          %parallel_loop3A_150 = arith.divf %parallel_loop3A_145, %parallel_loop3A_149 : vector<16xf32>
          %parallel_loop3A_151 = arith.addf %parallel_loop3A_144, %parallel_loop3A_150 : vector<16xf32>
          %parallel_loop3A_152 = arith.index_cast %parallel_loop3A_121 : i32 to index
          %parallel_loop3A_153 = tpu.vector_load %arg9[%parallel_loop3A_152] {strides = array<i32>} : memref<2048xf32, #tpu.memory_space<vmem>>, vector<16xf32>,
          tpu.vector_store %arg9[%parallel_loop3A_152], %parallel_loop3A_151 {strides = array<i32>} : memref<2048xf32, #tpu.memory_space<vmem>>, vector<16xf32>,
        } {sc.loop_unroll_factor = 8 : i64, sc.parallel_access}
        %mul3A_115 = arith.constant 32 : i32
        %mul3A_116 = arith.muli %mul3A_33, %mul3A_115 : i32
        %add3A_117 = arith.addi %mul3A_116, %add3A : i32
        %mul3A_118 = arith.constant 2048 : i32
        %mul3A_119 = arith.muli %add3A_117, %mul3A_118 : i32
        %dma_start3A = tpu.memref_slice %arg5[%mul3A_119] : memref<6400000xf32, #tpu.memory_space<hbm>> -> memref<2048xf32, #tpu.memory_space<hbm>>
        %dma_start3A_120 = tpu.memref_slice %arg5[%mul3A_119] : memref<6400000xf32, #tpu.memory_space<hbm>> -> memref<2048xf32, #tpu.memory_space<hbm>>
        tpu.enqueue_dma source(%arg9 : memref<2048xf32, #tpu.memory_space<vmem>>) target(%dma_start3A_120 : memref<2048xf32, #tpu.memory_space<hbm>>) target_semaphore(%arg15 : memref<!tpu.dma_semaphore, #tpu.memory_space<semaphore_mem>>)
      } else {
      }
      %add3A_64 = arith.constant 2 : i32
      %add3A_65 = arith.addi %mul3A_33, %add3A_64 : i32
      %mul3A_66 = arith.constant 32 : i32
      %mul3A_67 = arith.muli %add3A_65, %mul3A_66 : i32
      %add3A_68 = arith.addi %mul3A_67, %add3A : i32
      %lt3A_69 = arith.constant 3125 : i32
      %lt3A_70 = arith.cmpi slt, %add3A_68, %lt3A_69 : i32
      %convert_element_type3A_71 = arith.extui %lt3A_70 : i1 to i32
      %cond3A_72 = arith.constant 0 : i32
      %cond3A_73 = arith.cmpi ne, %convert_element_type3A_71, %cond3A_72 : i32
      scf.if %cond3A_73 {
        %mul3A_113 = arith.constant 32 : i32
        %mul3A_114 = arith.muli %add3A_65, %mul3A_113 : i32
        %add3A_115 = arith.addi %mul3A_114, %add3A : i32
        %mul3A_116 = arith.constant 2048 : i32
        %mul3A_117 = arith.muli %add3A_115, %mul3A_116 : i32
        %dma_start3A = arith.constant 0 : i32
        %dma_start3A_118 = tpu.memref_slice %arg3[%dma_start3A, %mul3A_117] : memref<2x6400000xi32, #tpu.memory_space<hbm>> -> memref<2x2048xi32, #tpu.memory_space<hbm>>
        %dma_start3A_119 = arith.constant 0 : i32
        %dma_start3A_120 = tpu.memref_slice %arg3[%dma_start3A_119, %mul3A_117] : memref<2x6400000xi32, #tpu.memory_space<hbm>> -> memref<2x2048xi32, #tpu.memory_space<hbm>>
        tpu.enqueue_dma source(%dma_start3A_120 : memref<2x2048xi32, #tpu.memory_space<hbm>>) target(%arg7 : memref<2x2048xi32, #tpu.memory_space<vmem>>) target_semaphore(%arg13 : memref<!tpu.dma_semaphore, #tpu.memory_space<semaphore_mem>>)
        %dma_start3A_121 = tpu.memref_slice %arg4[%mul3A_117] : memref<6400000xf32, #tpu.memory_space<hbm>> -> memref<2048xf32, #tpu.memory_space<hbm>>
        %dma_start3A_122 = tpu.memref_slice %arg4[%mul3A_117] : memref<6400000xf32, #tpu.memory_space<hbm>> -> memref<2048xf32, #tpu.memory_space<hbm>>
        tpu.enqueue_dma source(%dma_start3A_122 : memref<2048xf32, #tpu.memory_space<hbm>>) target(%arg8 : memref<2048xf32, #tpu.memory_space<vmem>>) target_semaphore(%arg13 : memref<!tpu.dma_semaphore, #tpu.memory_space<semaphore_mem>>)
      } else {
      }
      %mul3A_74 = arith.constant 32 : i32
      %mul3A_75 = arith.muli %add3A_37, %mul3A_74 : i32
      %add3A_76 = arith.addi %mul3A_75, %add3A : i32
      %lt3A_77 = arith.constant 3125 : i32
      %lt3A_78 = arith.cmpi slt, %add3A_76, %lt3A_77 : i32
      %convert_element_type3A_79 = arith.extui %lt3A_78 : i1 to i32
      %cond3A_80 = arith.constant 0 : i32
      %cond3A_81 = arith.cmpi ne, %convert_element_type3A_79, %cond3A_80 : i32
      scf.if %cond3A_81 {
        %dma_wait3A = arith.constant 0 : i32
        %dma_wait3A_113 = arith.constant 0 : i32
        %dma_wait3A_114 = tpu.memref_slice %arg3[%dma_wait3A, %dma_wait3A_113] : memref<2x6400000xi32, #tpu.memory_space<hbm>> -> memref<2x2048xi32, #tpu.memory_space<hbm>>
        %dma_wait3A_115 = arith.constant 0 : i32
        %dma_wait3A_116 = arith.constant 0 : i32
        %dma_wait3A_117 = tpu.memref_slice %arg3[%dma_wait3A_115, %dma_wait3A_116] : memref<2x6400000xi32, #tpu.memory_space<hbm>> -> memref<2x2048xi32, #tpu.memory_space<hbm>>
        tpu.wait_dma2 semaphore(%arg14 : memref<!tpu.dma_semaphore, #tpu.memory_space<semaphore_mem>>) src(%dma_wait3A_117 : memref<2x2048xi32, #tpu.memory_space<hbm>>) dst(%arg10 : memref<2x2048xi32, #tpu.memory_space<vmem>>)
        %dma_wait3A_118 = arith.constant 0 : i32
        %dma_wait3A_119 = tpu.memref_slice %arg4[%dma_wait3A_118] : memref<6400000xf32, #tpu.memory_space<hbm>> -> memref<2048xf32, #tpu.memory_space<hbm>>
        %dma_wait3A_120 = arith.constant 0 : i32
        %dma_wait3A_121 = tpu.memref_slice %arg4[%dma_wait3A_120] : memref<6400000xf32, #tpu.memory_space<hbm>> -> memref<2048xf32, #tpu.memory_space<hbm>>
        tpu.wait_dma2 semaphore(%arg14 : memref<!tpu.dma_semaphore, #tpu.memory_space<semaphore_mem>>) src(%dma_wait3A_121 : memref<2048xf32, #tpu.memory_space<hbm>>) dst(%arg11 : memref<2048xf32, #tpu.memory_space<vmem>>)
      } else {
      }
      %gt3A_82 = arith.constant 0 : i32
      %gt3A_83 = arith.cmpi sgt, %scan3A_31, %gt3A_82 : i32
      %sub3A_84 = arith.constant 2 : i32
      %sub3A_85 = arith.subi %add3A_37, %sub3A_84 : i32
      %mul3A_86 = arith.constant 32 : i32
      %mul3A_87 = arith.muli %sub3A_85, %mul3A_86 : i32
      %add3A_88 = arith.addi %mul3A_87, %add3A : i32
      %lt3A_89 = arith.constant 3125 : i32
      %lt3A_90 = arith.cmpi slt, %add3A_88, %lt3A_89 : i32
      %and3A_91 = arith.andi %gt3A_83, %lt3A_90 : i1
      %convert_element_type3A_92 = arith.extui %and3A_91 : i1 to i32
      %cond3A_93 = arith.constant 0 : i32
      %cond3A_94 = arith.cmpi ne, %convert_element_type3A_92, %cond3A_93 : i32
      scf.if %cond3A_94 {
        %dma_wait3A = arith.constant 0 : i32
        %dma_wait3A_113 = tpu.memref_slice %arg5[%dma_wait3A] : memref<6400000xf32, #tpu.memory_space<hbm>> -> memref<2048xf32, #tpu.memory_space<hbm>>
        %dma_wait3A_114 = arith.constant 0 : i32
        %dma_wait3A_115 = tpu.memref_slice %arg5[%dma_wait3A_114] : memref<6400000xf32, #tpu.memory_space<hbm>> -> memref<2048xf32, #tpu.memory_space<hbm>>
        tpu.wait_dma2 semaphore(%arg16 : memref<!tpu.dma_semaphore, #tpu.memory_space<semaphore_mem>>) src(%arg12 : memref<2048xf32, #tpu.memory_space<vmem>>) dst(%dma_wait3A_115 : memref<2048xf32, #tpu.memory_space<hbm>>)
      } else {
      }
      %mul3A_95 = arith.constant 32 : i32
      %mul3A_96 = arith.muli %add3A_37, %mul3A_95 : i32
      %add3A_97 = arith.addi %mul3A_96, %add3A : i32
      %lt3A_98 = arith.constant 3125 : i32
      %lt3A_99 = arith.cmpi slt, %add3A_97, %lt3A_98 : i32
      %convert_element_type3A_100 = arith.extui %lt3A_99 : i1 to i32
      %cond3A_101 = arith.constant 0 : i32
      %cond3A_102 = arith.cmpi ne, %convert_element_type3A_100, %cond3A_101 : i32
      scf.if %cond3A_102 {
        %parallel_loop3A = arith.constant 0 : i32
        %parallel_loop3A_113 = arith.constant 2048 : i32
        %parallel_loop3A_114 = arith.constant 16 : i32
        scf.for %parallel_loop3A_121 = %parallel_loop3A to %parallel_loop3A_113 step %parallel_loop3A_114  : i32 {
          %parallel_loop3A_122 = arith.constant 0 : i32
          %parallel_loop3A_123 = arith.index_cast %parallel_loop3A_122 : i32 to index
          %parallel_loop3A_124 = arith.index_cast %parallel_loop3A_121 : i32 to index
          %parallel_loop3A_125 = tpu.vector_load %arg10[%parallel_loop3A_123, %parallel_loop3A_124] {strides = array<i32>} : memref<2x2048xi32, #tpu.memory_space<vmem>>, vector<16xi32>,
          %parallel_loop3A_126 = arith.constant 1 : i32
          %parallel_loop3A_127 = arith.index_cast %parallel_loop3A_126 : i32 to index
          %parallel_loop3A_128 = arith.index_cast %parallel_loop3A_121 : i32 to index
          %parallel_loop3A_129 = tpu.vector_load %arg10[%parallel_loop3A_127, %parallel_loop3A_128] {strides = array<i32>} : memref<2x2048xi32, #tpu.memory_space<vmem>>, vector<16xi32>,
          %parallel_loop3A_130 = tpu.vector_load_idx %arg6[%parallel_loop3A_125] : memref<100000xf32, #tpu.memory_space<vmem>>[vector<16xi32>], vector<16xf32>,
          %parallel_loop3A_131 = tpu.vector_load_idx %arg6[%parallel_loop3A_129] : memref<100000xf32, #tpu.memory_space<vmem>>[vector<16xi32>], vector<16xf32>,
          %parallel_loop3A_132 = arith.addf %parallel_loop3A_130, %parallel_loop3A_131 : vector<16xf32>
          %parallel_loop3A_133 = arith.index_cast %parallel_loop3A_121 : i32 to index
          %parallel_loop3A_134 = tpu.vector_load %arg11[%parallel_loop3A_133] {strides = array<i32>} : memref<2048xf32, #tpu.memory_space<vmem>>, vector<16xf32>,
          %parallel_loop3A_135 = arith.divf %parallel_loop3A_134, %parallel_loop3A_132 : vector<16xf32>
          %parallel_loop3A_136 = arith.constant 13.7142859 : f32
          %parallel_loop3A_137 = vector.broadcast %parallel_loop3A_136 : f32 to vector<16xf32>
          %parallel_loop3A_138 = arith.mulf %parallel_loop3A_137, %parallel_loop3A_135 : vector<16xf32>
          %parallel_loop3A_139 = arith.constant 14.2857141 : f32
          %parallel_loop3A_140 = vector.broadcast %parallel_loop3A_139 : f32 to vector<16xf32>
          %parallel_loop3A_141 = arith.subf %parallel_loop3A_140, %parallel_loop3A_138 : vector<16xf32>
          %parallel_loop3A_142 = arith.constant 7.500000e-01 : f32
          %parallel_loop3A_143 = vector.broadcast %parallel_loop3A_142 : f32 to vector<16xf32>
          %parallel_loop3A_144 = arith.mulf %parallel_loop3A_143, %parallel_loop3A_132 : vector<16xf32>
          %parallel_loop3A_145 = arith.subf %parallel_loop3A_134, %parallel_loop3A_144 : vector<16xf32>
          %parallel_loop3A_146 = math.exp %parallel_loop3A_141 : vector<16xf32>
          %parallel_loop3A_147 = arith.constant 1.000000e+00 : f32
          %parallel_loop3A_148 = vector.broadcast %parallel_loop3A_147 : f32 to vector<16xf32>
          %parallel_loop3A_149 = arith.addf %parallel_loop3A_148, %parallel_loop3A_146 : vector<16xf32>
          %parallel_loop3A_150 = arith.divf %parallel_loop3A_145, %parallel_loop3A_149 : vector<16xf32>
          %parallel_loop3A_151 = arith.addf %parallel_loop3A_144, %parallel_loop3A_150 : vector<16xf32>
          %parallel_loop3A_152 = arith.index_cast %parallel_loop3A_121 : i32 to index
          %parallel_loop3A_153 = tpu.vector_load %arg12[%parallel_loop3A_152] {strides = array<i32>} : memref<2048xf32, #tpu.memory_space<vmem>>, vector<16xf32>,
          tpu.vector_store %arg12[%parallel_loop3A_152], %parallel_loop3A_151 {strides = array<i32>} : memref<2048xf32, #tpu.memory_space<vmem>>, vector<16xf32>,
        } {sc.loop_unroll_factor = 8 : i64, sc.parallel_access}
        %mul3A_115 = arith.constant 32 : i32
        %mul3A_116 = arith.muli %add3A_37, %mul3A_115 : i32
        %add3A_117 = arith.addi %mul3A_116, %add3A : i32
        %mul3A_118 = arith.constant 2048 : i32
        %mul3A_119 = arith.muli %add3A_117, %mul3A_118 : i32
        %dma_start3A = tpu.memref_slice %arg5[%mul3A_119] : memref<6400000xf32, #tpu.memory_space<hbm>> -> memref<2048xf32, #tpu.memory_space<hbm>>
        %dma_start3A_120 = tpu.memref_slice %arg5[%mul3A_119] : memref<6400000xf32, #tpu.memory_space<hbm>> -> memref<2048xf32, #tpu.memory_space<hbm>>
        tpu.enqueue_dma source(%arg12 : memref<2048xf32, #tpu.memory_space<vmem>>) target(%dma_start3A_120 : memref<2048xf32, #tpu.memory_space<hbm>>) target_semaphore(%arg16 : memref<!tpu.dma_semaphore, #tpu.memory_space<semaphore_mem>>)
      } else {
      }
      %add3A_103 = arith.constant 2 : i32
      %add3A_104 = arith.addi %add3A_37, %add3A_103 : i32
      %mul3A_105 = arith.constant 32 : i32
      %mul3A_106 = arith.muli %add3A_104, %mul3A_105 : i32
      %add3A_107 = arith.addi %mul3A_106, %add3A : i32
      %lt3A_108 = arith.constant 3125 : i32
      %lt3A_109 = arith.cmpi slt, %add3A_107, %lt3A_108 : i32
      %convert_element_type3A_110 = arith.extui %lt3A_109 : i1 to i32
      %cond3A_111 = arith.constant 0 : i32
      %cond3A_112 = arith.cmpi ne, %convert_element_type3A_110, %cond3A_111 : i32
      scf.if %cond3A_112 {
        %mul3A_113 = arith.constant 32 : i32
        %mul3A_114 = arith.muli %add3A_104, %mul3A_113 : i32
        %add3A_115 = arith.addi %mul3A_114, %add3A : i32
        %mul3A_116 = arith.constant 2048 : i32
        %mul3A_117 = arith.muli %add3A_115, %mul3A_116 : i32
        %dma_start3A = arith.constant 0 : i32
        %dma_start3A_118 = tpu.memref_slice %arg3[%dma_start3A, %mul3A_117] : memref<2x6400000xi32, #tpu.memory_space<hbm>> -> memref<2x2048xi32, #tpu.memory_space<hbm>>
        %dma_start3A_119 = arith.constant 0 : i32
        %dma_start3A_120 = tpu.memref_slice %arg3[%dma_start3A_119, %mul3A_117] : memref<2x6400000xi32, #tpu.memory_space<hbm>> -> memref<2x2048xi32, #tpu.memory_space<hbm>>
        tpu.enqueue_dma source(%dma_start3A_120 : memref<2x2048xi32, #tpu.memory_space<hbm>>) target(%arg10 : memref<2x2048xi32, #tpu.memory_space<vmem>>) target_semaphore(%arg14 : memref<!tpu.dma_semaphore, #tpu.memory_space<semaphore_mem>>)
        %dma_start3A_121 = tpu.memref_slice %arg4[%mul3A_117] : memref<6400000xf32, #tpu.memory_space<hbm>> -> memref<2048xf32, #tpu.memory_space<hbm>>
        %dma_start3A_122 = tpu.memref_slice %arg4[%mul3A_117] : memref<6400000xf32, #tpu.memory_space<hbm>> -> memref<2048xf32, #tpu.memory_space<hbm>>
        tpu.enqueue_dma source(%dma_start3A_122 : memref<2048xf32, #tpu.memory_space<hbm>>) target(%arg11 : memref<2048xf32, #tpu.memory_space<vmem>>) target_semaphore(%arg14 : memref<!tpu.dma_semaphore, #tpu.memory_space<semaphore_mem>>)
      } else {
      }
    }
    %scan3A_16 = arith.constant 49 : i32
    %add3A_17 = arith.constant 3072 : i32
    %add3A_18 = arith.addi %add3A_17, %add3A : i32
    %lt3A_19 = arith.constant 3125 : i32
    %lt3A_20 = arith.cmpi slt, %add3A_18, %lt3A_19 : i32
    %convert_element_type3A_21 = arith.extui %lt3A_20 : i1 to i32
    %cond3A_22 = arith.constant 0 : i32
    %cond3A_23 = arith.cmpi ne, %convert_element_type3A_21, %cond3A_22 : i32
    scf.if %cond3A_23 {
      %dma_wait3A = arith.constant 0 : i32
      %dma_wait3A_31 = tpu.memref_slice %arg5[%dma_wait3A] : memref<6400000xf32, #tpu.memory_space<hbm>> -> memref<2048xf32, #tpu.memory_space<hbm>>
      %dma_wait3A_32 = arith.constant 0 : i32
      %dma_wait3A_33 = tpu.memref_slice %arg5[%dma_wait3A_32] : memref<6400000xf32, #tpu.memory_space<hbm>> -> memref<2048xf32, #tpu.memory_space<hbm>>
      tpu.wait_dma2 semaphore(%arg15 : memref<!tpu.dma_semaphore, #tpu.memory_space<semaphore_mem>>) src(%arg9 : memref<2048xf32, #tpu.memory_space<vmem>>) dst(%dma_wait3A_33 : memref<2048xf32, #tpu.memory_space<hbm>>)
    } else {
    }
    %add3A_24 = arith.constant 3104 : i32
    %add3A_25 = arith.addi %add3A_24, %add3A : i32
    %lt3A_26 = arith.constant 3125 : i32
    %lt3A_27 = arith.cmpi slt, %add3A_25, %lt3A_26 : i32
    %convert_element_type3A_28 = arith.extui %lt3A_27 : i1 to i32
    %cond3A_29 = arith.constant 0 : i32
    %cond3A_30 = arith.cmpi ne, %convert_element_type3A_28, %cond3A_29 : i32
    scf.if %cond3A_30 {
      %dma_wait3A = arith.constant 0 : i32
      %dma_wait3A_31 = tpu.memref_slice %arg5[%dma_wait3A] : memref<6400000xf32, #tpu.memory_space<hbm>> -> memref<2048xf32, #tpu.memory_space<hbm>>
      %dma_wait3A_32 = arith.constant 0 : i32
      %dma_wait3A_33 = tpu.memref_slice %arg5[%dma_wait3A_32] : memref<6400000xf32, #tpu.memory_space<hbm>> -> memref<2048xf32, #tpu.memory_space<hbm>>
      tpu.wait_dma2 semaphore(%arg16 : memref<!tpu.dma_semaphore, #tpu.memory_space<semaphore_mem>>) src(%arg12 : memref<2048xf32, #tpu.memory_space<vmem>>) dst(%dma_wait3A_33 : memref<2048xf32, #tpu.memory_space<hbm>>)
    } else {
    }
    return
  }
}

module attributes {stable_mosaic.version = 14 : i64} {
  func.func @_node_rad_body(%arg0: i32, %arg1: memref<10000x10xf32, #tpu.memory_space<vmem>>, %arg2: memref<1x10xi32, #tpu.memory_space<vmem>>, %arg3: memref<1x119xf32, #tpu.memory_space<vmem>>, %arg4: memref<10000x1xf32, #tpu.memory_space<vmem>>) attributes {dimension_semantics = [#tpu.dimension_semantics<arbitrary>], iteration_bounds = array<i64: 10>, scalar_prefetch = 0 : i64, scratch_operands = 0 : i64, tpu.core_type = #tpu.core_type<tc>, window_params = [{transform_indices = @transform_0, window_bounds = array<i64: 10000, 10>}, {pipeline_mode = #tpu.pipeline_mode<synchronous>, transform_indices = @transform_1, window_bounds = array<i64: 1, 10>}, {pipeline_mode = #tpu.pipeline_mode<synchronous>, transform_indices = @transform_2, window_bounds = array<i64: 1, 119>}, {transform_indices = @transform_3, window_bounds = array<i64: 10000, 1>}]} {
    %get3A = arith.constant 0 : index
    %get3A_0 = arith.constant 0 : index
    %get3A_1 = vector.load %arg1[%get3A, %get3A_0] : memref<10000x10xf32, #tpu.memory_space<vmem>>, vector<10000x10xf32>
    %get3A_2 = arith.constant 0 : index
    %get3A_3 = arith.constant 0 : index
    %get3A_4 = vector.load %arg2[%get3A_2, %get3A_3] : memref<1x10xi32, #tpu.memory_space<vmem>>, vector<1x10xi32>
    %get3A_5 = arith.constant 0 : index
    %get3A_6 = arith.constant 0 : index
    %get3A_7 = vector.load %arg3[%get3A_5, %get3A_6] : memref<1x119xf32, #tpu.memory_space<vmem>>, vector<1x119xf32>
    %iota3A = tpu.iota {dimensions = array<i32: 1>} : vector<10000x10xi32>
    %reduce_max3A = arith.constant dense<0xFF800000> : vector<10000xf32>
    %reduce_max3A_8 = vector.multi_reduction <maximumf>, %get3A_1, %reduce_max3A [1] : vector<10000x10xf32> to vector<10000xf32>
    %broadcast_in_dim3A = vector.shape_cast %reduce_max3A_8 : vector<10000xf32> to vector<10000x1xf32>
    %eq3A = vector.broadcast %broadcast_in_dim3A : vector<10000x1xf32> to vector<10000x10xf32>
    %eq3A_9 = arith.cmpf oeq, %get3A_1, %eq3A : vector<10000x10xf32>
    %jit3A = arith.constant 10 : i32
    %broadcast_in_dim3A_10 = vector.broadcast %jit3A : i32 to vector<10000x10xi32>
    %select_n3A = arith.select %eq3A_9, %iota3A, %broadcast_in_dim3A_10 : vector<10000x10xi1>, vector<10000x10xi32>
    %reduce_min3A = arith.constant dense<2147483647> : vector<10000xi32>
    %reduce_min3A_11 = vector.multi_reduction <minsi>, %select_n3A, %reduce_min3A [1] : vector<10000x10xi32> to vector<10000xi32>
    %broadcast_in_dim3A_12 = vector.shape_cast %reduce_min3A_11 : vector<10000xi32> to vector<10000x1xi32>
    %eq3A_13 = vector.broadcast %broadcast_in_dim3A_12 : vector<10000x1xi32> to vector<10000x10xi32>
    %eq3A_14 = arith.cmpi eq, %iota3A, %eq3A_13 : vector<10000x10xi32>
    %jit3A_15 = arith.constant 0 : i32
    %broadcast_in_dim3A_16 = vector.shape_cast %get3A_4 : vector<1x10xi32> to vector<1x10xi32>
    %broadcast_in_dim3A_17 = vector.broadcast %broadcast_in_dim3A_16 : vector<1x10xi32> to vector<10000x10xi32>
    %broadcast_in_dim3A_18 = vector.broadcast %jit3A_15 : i32 to vector<10000x10xi32>
    %select_n3A_19 = arith.select %eq3A_14, %broadcast_in_dim3A_17, %broadcast_in_dim3A_18 : vector<10000x10xi1>, vector<10000x10xi32>
    %reduce_sum3A = arith.constant dense<0> : vector<10000xi32>
    %reduce_sum3A_20 = vector.multi_reduction <add>, %select_n3A_19, %reduce_sum3A [1] : vector<10000x10xi32> to vector<10000xi32>
    %broadcast_in_dim3A_21 = vector.shape_cast %reduce_sum3A_20 : vector<10000xi32> to vector<10000x1xi32>
    %iota3A_22 = tpu.iota {dimensions = array<i32: 1>} : vector<10000x119xi32>
    %eq3A_23 = vector.broadcast %broadcast_in_dim3A_21 : vector<10000x1xi32> to vector<10000x119xi32>
    %eq3A_24 = arith.cmpi eq, %iota3A_22, %eq3A_23 : vector<10000x119xi32>
    %jit3A_25 = arith.constant 0.000000e+00 : f32
    %broadcast_in_dim3A_26 = vector.shape_cast %get3A_7 : vector<1x119xf32> to vector<1x119xf32>
    %broadcast_in_dim3A_27 = vector.broadcast %broadcast_in_dim3A_26 : vector<1x119xf32> to vector<10000x119xf32>
    %broadcast_in_dim3A_28 = vector.broadcast %jit3A_25 : f32 to vector<10000x119xf32>
    %select_n3A_29 = arith.select %eq3A_24, %broadcast_in_dim3A_27, %broadcast_in_dim3A_28 : vector<10000x119xi1>, vector<10000x119xf32>
    %reduce_sum3A_30 = arith.constant dense<0.000000e+00> : vector<10000xf32>
    %reduce_sum3A_31 = vector.multi_reduction <add>, %select_n3A_29, %reduce_sum3A_30 [1] : vector<10000x119xf32> to vector<10000xf32>
    %broadcast_in_dim3A_32 = vector.shape_cast %reduce_sum3A_31 : vector<10000xf32> to vector<10000x1xf32>
    %swap3A = arith.constant 0 : index
    %swap3A_33 = arith.constant 0 : index
    %swap3A_34 = vector.load %arg4[%swap3A, %swap3A_33] : memref<10000x1xf32, #tpu.memory_space<vmem>>, vector<10000x1xf32>
    tpu.vector_store %arg4[%swap3A, %swap3A_33], %broadcast_in_dim3A_32 {strides = array<i32>} : memref<10000x1xf32, #tpu.memory_space<vmem>>, vector<10000x1xf32>,
    return
  }
  func.func @transform_0(%arg0: i32) -> (i32, i32) {
    %c0_i32 = arith.constant 0 : i32
    %c0_i32_0 = arith.constant 0 : i32
    return %arg0, %c0_i32 : i32, i32
  }
  func.func @transform_1(%arg0: i32) -> (i32, i32) {
    %c0_i32 = arith.constant 0 : i32
    %c0_i32_0 = arith.constant 0 : i32
    %c0_i32_1 = arith.constant 0 : i32
    return %c0_i32, %c0_i32_0 : i32, i32
  }
  func.func @transform_2(%arg0: i32) -> (i32, i32) {
    %c0_i32 = arith.constant 0 : i32
    %c0_i32_0 = arith.constant 0 : i32
    %c0_i32_1 = arith.constant 0 : i32
    return %c0_i32, %c0_i32_0 : i32, i32
  }
  func.func @transform_3(%arg0: i32) -> (i32, i32) {
    %c0_i32 = arith.constant 0 : i32
    %c0_i32_0 = arith.constant 0 : i32
    return %arg0, %c0_i32 : i32, i32
  }
}

</mosaic_0001>

<sc_bundles>
// kernel: kernel.4.cloned.1.call-start
scs
__scs_entry_jumppad:
0x0: {  	(pc) =	sbr.rel $0x88, $3  }
0x1: {  	(tag) =	ssettag $0x0;
	lr =	simm.s32 $0x1  }
0x2: {  	[smem:$0x3F9C] =	sst lr;
	_ =	strace $0xD0000000  }
0x3: {  	_ = 	snop  }
0x4: {  	_ = 	snop  }
0x5: {  	_ = 	snop  }
0x6: {  	_ = 	snop  }
0x7: {  	_ = 	snop  }
__scs_overlays_trampoline_lowered:
0x8: {  	[smem:$0x3FAB] =	sst s0  }
0x9: {  	[smem:$0x3FAC] =	sst s1  }
0xa: {  	[smem:$0x3FAD] =	sst s2  }
0xb: {  	[smem:$0x3FAE] =	sst s3  }
0xc: {  	[smem:$0x3FAF] =	sst s4  }
0xd: {  	[smem:$0x3FB0] =	sst s5  }
0xe: {  	[smem:$0x3FB1] =	sst s6  }
0xf: {  	[smem:$0x3FB2] =	sst s7  }
0x10: {  	[smem:$0x3FB3] =	sst s8  }
0x11: {  	[smem:$0x3FB4] =	sst s9;
	s0 =	simm.s32 @!p0 $0x0  }
0x12: {  	s1 =	sld [smem:$0x3F9A];
	s0 =	simm.s32 @p0 $0x1  }
0x13: {  	[smem:$0x3FB5] =	sst s0;
	s0 =	simm.s32 @!p1 $0x0  }
0x14: {  	s2 =	sld [smem:$0x3F99];
	s0 =	simm.s32 @p1 $0x1  }
0x15: {  	[smem:$0x3FB6] =	sst s0;
	s0 =	simm.s32 @!p2 $0x0  }
0x16: {  	s3 =	sld [smem:$0x3FDB];
	s0 =	simm.s32 @p2 $0x1  }
0x17: {  	s4 =	simm.s32 $0x1BF5;
	[smem:$0x3FB8] =	sst s0  }
0x18: {  	s0 =	sld [smem:$0x3F9B];
	_ =	swait.ge [sflag:s4], $0x0  }
0x19: {  	s7 =	sld [smem:$0x3F9C]  }
0x1a: {  	s8 =	sadd.s32 $0xFFFFE003, lr  }
0x1b: {  	s9 =	sadd.s32 $0xFFFFFEF7, lr;
	s5 =	simm.s32 $0xFFFFFFFF;
	p2 =	slt.u32 s8, $0xFFFFF086  }
0x1c: {  	p1 =	slt.u32 s9, $0xF7A;
	s5 =	simm.s32 @!p2 $0x0  }
0x1d: {  	s5 =	simm.s32 @p1 $0x1;
	p0 =	seq.s32 s7, s2  }
0x1e: {  	s7 =	smul.u32 @!p0 $0xF7A, s2;
	p2 =	seq.s32 @!p0 s5, $0x0  }
0x1f: {  	s9 =	smul.u32 $0xF7A, s1;
	s8 =	simm.s32 @!p0 $0x1BF5;
	p2 =	por !p2, p0  }
0x20: {  	[sflag:s8] =	ssyncset.s32 @!p0 $0xFFFFF086;
	s6 =	sadd.s32 @!p0 s3, s7;
	s7 =	simm.s32 @!p0 $0x108  }
0x21: {  	s3 =	sadd.s32 s3, s9;
	s6 =	sadd.s32 @!p0 $0x88, s6;
	s7 =	simm.s32 @p2 $0x1082  }
0x22: {  	[simem:s7], [sflag:s8] =	dma.local @!p0 [hbm:s6], $0xF7A  }
0x23: {  	s9 =	sor.u32 $0xD0000000, s2;
	s6 =	simm.s32 $0x108;
	_ =	swait.ge @!p0 [sflag:s8], $0x0  }
0x24: {  	s3 =	sadd.s32 $0x88, s3;
	s6 =	simm.s32 @!p1 $0x1082;
	[sflag:s4] =	ssyncset.s32 $0xFFFFF086  }
0x25: {  	[simem:s6], [sflag:s4] =	dma.local [hbm:s3], $0xF7A  }
0x26: {  	[smem:$0x3F9C] =	sst s1;
	(tag) =	ssettag s2;
	_ =	strace s9  }
0x27: {  	s1 =	sld [smem:$0x3FAC]  }
0x28: {  	s2 =	sld [smem:$0x3FAD]  }
0x29: {  	s4 =	sld [smem:$0x3FAF]  }
0x2a: {  	p0 =	seq.s32 s5, $0x0;
	s5 =	sld [smem:$0x3FB0]  }
0x2b: {  	s6 =	sld [smem:$0x3FB1]  }
0x2c: {  	s7 =	sld [smem:$0x3FB2]  }
0x2d: {  	s3 =	simm.s32 $0x108;
	s8 =	sld [smem:$0x3FB3]  }
0x2e: {  	s3 =	simm.s32 @!p0 $0x1082;
	s9 =	sld [smem:$0x3FB4]  }
0x2f: {  	lr =	sadd.s32 s0, s3;
	s0 =	sld [smem:$0x3FAB]  }
0x30: {  	s3 =	sld [smem:$0x3FAE]  }
0x31: {  	[smem:$0x3FB7] =	sst s10  }
0x32: {  	s10 =	sld [smem:$0x3FB5];
	_ =	sdelay $0x3  }
0x33: {  	p0 =	seq.s32 s10, $0x1;
	s10 =	sld [smem:$0x3FB7];
	_ =	sdelay $0x3  }
0x34: {  	[smem:$0x3FB7] =	sst s10  }
0x35: {  	s10 =	sld [smem:$0x3FB6];
	_ =	sdelay $0x3  }
0x36: {  	p1 =	seq.s32 s10, $0x1;
	s10 =	sld [smem:$0x3FB7];
	_ =	sdelay $0x3  }
0x37: {  	[smem:$0x3FB7] =	sst s10  }
0x38: {  	s10 =	sld [smem:$0x3FB8]  }
0x39: {  	_ = 	snop;
	(pc) =	sbr.ind lr, $3  }
0x3a: {  	_ = 	snop  }
0x3b: {  	_ = 	snop  }
0x3c: {  	p2 =	seq.s32 s10, $0x1;
	s10 =	sld [smem:$0x3FB7]  }
0x3d: {  	_ =	shalt  }
0x3e: {  	_ =	shalt  }
0x3f: {  	_ =	shalt  }
0x40: {  	_ =	shalt  }
0x41: {  	_ =	shalt  }
0x42: {  	_ =	shalt  }
0x43: {  	_ =	shalt  }
0x44: {  	_ =	shalt  }
0x45: {  	_ =	shalt  }
0x46: {  	_ =	shalt  }
0x47: {  	_ =	shalt  }
0x48: {  	_ =	shalt  }
0x49: {  	_ =	shalt  }
0x4a: {  	_ =	shalt  }
0x4b: {  	_ =	shalt  }
0x4c: {  	_ =	shalt  }
0x4d: {  	_ =	shalt  }
0x4e: {  	_ =	shalt  }
0x4f: {  	_ =	shalt  }
0x50: {  	_ =	shalt  }
0x51: {  	_ =	shalt  }
0x52: {  	_ =	shalt  }
0x53: {  	_ =	shalt  }
0x54: {  	_ =	shalt  }
0x55: {  	_ =	shalt  }
0x56: {  	_ =	shalt  }
0x57: {  	_ =	shalt  }
0x58: {  	_ =	shalt  }
0x59: {  	_ =	shalt  }
0x5a: {  	_ =	shalt  }
0x5b: {  	_ =	shalt  }
0x5c: {  	_ =	shalt  }
0x5d: {  	_ =	shalt  }
0x5e: {  	_ =	shalt  }
0x5f: {  	_ =	shalt  }
0x60: {  	_ =	shalt  }
0x61: {  	_ =	shalt  }
0x62: {  	_ =	shalt  }
0x63: {  	_ =	shalt  }
0x64: {  	_ =	shalt  }
0x65: {  	_ =	shalt  }
0x66: {  	_ =	shalt  }
0x67: {  	_ =	shalt  }
0x68: {  	_ =	shalt  }
0x69: {  	_ =	shalt  }
0x6a: {  	_ =	shalt  }
0x6b: {  	_ =	shalt  }
0x6c: {  	_ =	shalt  }
0x6d: {  	_ =	shalt  }
0x6e: {  	_ =	shalt  }
0x6f: {  	_ =	shalt  }
0x70: {  	_ =	shalt  }
0x71: {  	_ =	shalt  }
0x72: {  	_ =	shalt  }
0x73: {  	_ =	shalt  }
0x74: {  	_ =	shalt  }
0x75: {  	_ =	shalt  }
0x76: {  	_ =	shalt  }
0x77: {  	_ =	shalt  }
0x78: {  	_ =	shalt  }
0x79: {  	_ =	shalt  }
0x7a: {  	_ =	shalt  }
0x7b: {  	_ =	shalt  }
0x7c: {  	_ =	shalt  }
0x7d: {  	_ =	shalt  }
0x7e: {  	_ =	shalt  }
0x7f: {  	_ =	shalt  }
0x80: {  	_ =	shalt  }
0x81: {  	_ =	shalt  }
0x82: {  	_ =	shalt  }
0x83: {  	_ =	shalt  }
0x84: {  	_ =	shalt  }
0x85: {  	_ =	shalt  }
0x86: {  	_ =	shalt  }
0x87: {  	_ =	shalt  }
.Lfunc_end0:
.L_simem_size_0:
called_computation_lowered:
.L_overlay_start_0:
0x88: {  	s2 =	sld [smem:$0x3FD9]  }
0x89: {  	s3 =	sld [smem:$0x3FFE];
	_ =	sdelay $0x1  }
0x8a: {  	s1 =	srdreg.scid  }
0x8b: {  	s0 =	sand.u32 $0x1, s1  }
0x8c: {  	s17 =	sshll.u32 s0, $0xA;
	s2 =	sadd.s32 s3, s2  }
0x8d: {  	s2 =	sadd.s32 s2, s17  }
0x8e: {  	[smem:$0x3FC3] =	sst s2  }
0x8f: {  	_ = 	snop  }
0x90: {  	s2 =	sld [smem:$0x3FC9]  }
0x91: {  	s18 =	sld [smem:$0x3FC7]  }
0x92: {  	s4 =	sld [smem:$0x3FD0];
	(tm) =	ssettm $0x1  }
0x93: {  	s5 =	sld [smem:$0x3FFB];
	_ =	sdelay $0x3  }
0x94: {  	_ =	strace s5  }
0x95: {  	s5 =	sld [smem:$0x3FFC];
	_ =	sdelay $0x3  }
0x96: {  	_ =	strace s5  }
0x97: {  	s5 =	sld [smem:$0x3FFD];
	_ =	sdelay $0x3  }
0x98: {  	_ =	strace s5  }
0x99: {  	_ =	strace $0x8FFFFFFF  }
0x9a: {  	s19 =	sld [smem:$0x3FDB];
	_ =	sdelay $0x1  }
0x9b: {  	s6 =	simm.s32 $_scs_section_size  }
0x9c: {  	s7 =	simm.s32 $_size__tile_overlayer_lowered;
	s8 =	simm.s32 $_tile_overlayer_lowered  }
0x9d: {  	s22 =	simm.s32 $0x1BFF;
	s21 =	sshll.u32 s8, $0x1;
	s5 =	sadd.s32 s6, s19  }
0x9e: {  	s9 =	simm.s32 $0x0;
	s20 =	sshll.u32 s7, $0x1;
	s7 =	sadd.s32 s21, s5  }
0x9f: {  	[timem:s9], [sflag:s22] =	dma.local [hbm:s7], s20  }
0xa0: {  	_ =	swait.ge [sflag:s22], s20  }
0xa1: {  	s6 =	ssub.s32 $0x0, s20;
	[sflag:s22] =	ssyncset.done $0x0  }
0xa2: {  	[sflag:s22] =	ssyncadd.s32 s6;
	_ =	sdelay $0x1  }
0xa3: {  	s23 =	simm.s32 $0x1B8B  }
0xa4: {  	_ =	swait.ge [sflag:s23], $0x1  }
0xa5: {  	[sflag:s23] =	ssyncset.done $0x0  }
0xa6: {  	s25 =	simm.s32 $0x1B8E;
	s24 =	sld [smem:$0x3FFE];
	[sflag:s23] =	ssyncadd.s32 $0xFFFFFFFF  }
0xa7: {  	s26 =	simm.s32 $execute0_lowered;
	[smem:$0x3FD2] =	sst s25  }
0xa8: {  	s7 =	sshll.u32 s26, $0x1;
	_ =	strace $0x80000046;
	[dreg:$0x1] =	wrdreg $0xFFFFFFFF  }
0xa9: {  	s28 =	simm.s32 $_size_execute0_lowered;
	s5 =	sadd.s32 s5, s7;
	[dreg:$0x0] =	wrdreg $0x0  }
0xaa: {  	s7 =	sshll.u32 s28, $0x1;
	[dreg:$0x2] =	wrdreg s5  }
0xab: {  	[dreg:$0x3] =	wrdreg s7  }
0xac: {  	[dreg:$0x4] =	wrdreg $0xC0  }
0xad: {  	_ =	task [dreg:s9], $0x5FFFF  }
0xae: {  	[dreg:$0x1] =	wrdreg $0xFFFFFFFF  }
0xaf: {  	[dreg:$0x0] =	wrdreg $0x60  }
0xb0: {  	[dreg:$0x2] =	wrdreg s24  }
0xb1: {  	[dreg:$0x3] =	wrdreg s18  }
0xb2: {  	[dreg:$0x4] =	wrdreg s2  }
0xb3: {  	[dreg:$0x5] =	wrdreg s4  }
0xb4: {  	[dreg:$0x6] =	wrdreg $0x9  }
0xb5: {  	_ =	task.clear_ibuf [dreg:s9], $0x7FFFF;
	_ =	strace $0x90000046  }
0xb6: {  	s29 =	simm.s32 $0x9;
	_ =	strace $0x80000048  }
0xb7: {  	_ =	swait.ge [sflag:s29], $0x1  }
0xb8: {  	[sflag:s29] =	ssyncadd.s32 $0xFFFFFFFF  }
0xb9: {  	_ =	strace $0x90000048  }
0xba: {  	_ =	sfence  }
0xbb: {  	s30 =	sld [smem:$0x0];
	_ =	sdelay $0x2  }
0xbc: {  	s31 =	sshll.u32 s1, $0xD;
	s1 =	sshrl.u32 s1, $0x2  }
0xbd: {  	s3 =	sand.u32 $0x4000, s31;
	s1 =	sadd.s32 s1, s30  }
0xbe: {  	s0 =	sor.u32 s3, s0;
	s1 =	sshll.u32 s1, $0x11  }
0xbf: {  	s0 =	sor.u32 s1, s0  }
0xc0: {  	s0 =	sadd.s32 $0x8F2B, s0  }
0xc1: {  	[sflag:s0] =	ssyncadd.remote.s32 $0x1  }
0xc2: {  	_ =	sfence.sel $0xFFFF  }
0xc3: {  	[dreg:$0x0] =	wrdreg $0xFFFFFFFF;
	(pc) =	sbr.abs _section_cstart, $3  }
0xc4: {  	[dreg:$0x1] =	wrdreg $0xFFFFFFFF  }
0xc5: {  	_ =	task.clear_ibuf [dreg:s9], $0x2FFFF;
	_ =	strace $0x9FFFFFFF  }
0xc6: {  	(tm) =	ssettm $0x7FFFFFFF  }
0xc7: {  	_ =	shalt  }
tec
execute0_lowered:
.L_overlay_start_1:
0x0: {  	(tag) =	ssettag $0x1  }
0x1: {  	s0 =	rddreg [dreg:$0x0]  }
0x2: {  	s1 =	rddreg [dreg:$0x1]  }
0x3: {  	s2 =	rddreg [dreg:$0x2]  }
0x4: {  	s4 =	rddreg [dreg:$0x3];
	s5 =	simm.s32 $0x0  }
0x5: {  	s3 =	srdreg.scid;
	s6 =	stileid.u32;
	s15 =	simm.s32 $0x5  }
0x6: {  	s16 =	simm.s32 $0x18700;
	s17 =	simm.s32 $0x19700;
	s18 =	simm.s32 $0x1A700  }
0x7: {  	s19 =	simm.s32 $0x1B700;
	s20 =	simm.s32 $0x1;
	s21 =	simm.s32 $0x19F00  }
0x8: {  	s22 =	simm.s32 $0x1BF00;
	s23 =	simm.s32 $0x3;
	s24 =	simm.s32 $0x0  }
0x9: {  	[smem:$0x7FF] =	sst s5;
	s3 =	sand.u32 $0x1, s3;
	s6 =	sshll.u32 s6, $0x1  }
0xa: {  	s7 =	sadd.s32 $0x400, s0;
	s8 =	ssub.s32 $0x2, s3;
	s6 =	sor.u32 s3, s6  }
0xb: {  	_ =	strace $0x80000047;
	s30 =	sshrl.u32 s8, $0x1;
	s3 =	sshll.u32 s6, $0x4  }
.Ltmp0:
0xc: {  	s31 =	sshll.u32 s6, $0x9;
	s9 =	sshll.u32 s6, $0x8;
	(pc) =	sbr.rel .LBB2_1-.Ltmp0, $4  }
0xd: {  	s12 =	sor.u32 $0x40, s6;
	s13 =	sor.u32 $0x60, s6;
	p0 =	sgt.u32 s6, $0x14  }
0xe: {  	s0 =	ssub.s32 s8, s30;
	s3 =	sor.u32 $0x200, s3;
	s8 =	sadd.s32 s1, s31  }
0xf: {  	s9 =	sadd.s32 s2, s9;
	s10 =	sshll.u32 s3, $0x5;
	s3 =	sshll.u32 s3, $0x4  }
0x10: {  	s14 =	smax.u32 s0, $0x1;
	s10 =	sadd.s32 s1, s10;
	s11 =	sadd.s32 s2, s3  }
.LBB2_9:
0x11: {  	s24 =	sadd.s32 $0x1, s24  }
0x12: {  	_ =	swait.ge [sflag:s23], $0x800;
	p1 =	sne.s32 s24, s14  }
.Ltmp1:
0x13: {  	[sflag:s23] =	ssyncset.done $0x0;
	(pc) =	sbr.rel @!p1 .LBB2_10-.Ltmp1, $4  }
0x14: {  	s0 =	simm.s32 @!p0 $0x4;
	[sflag:s23] =	ssyncadd.s32 $0xFFFFF800  }
0x15: {  	_ =	swait.ge @!p0 [sflag:s0], $0x800  }
0x16: {  	[sflag:s0] =	ssyncset.done @!p0 $0x0  }
0x17: {  	[sflag:s0] =	ssyncadd.s32 @!p0 $0xFFFFF800  }
.LBB2_1:
0x18: {  	[tilespmem:s5], [sflag:$0x5] =	stream.linear.gather [hbm4b:s7+s5], $0x18700, $0x38;
	[tilespmem:$0x1C700] =	vst v63  }
0x19: {  	_ =	swait.ge [sflag:s15], $0x18700  }
0x1a: {  	[sflag:s15] =	ssyncset.done $0x0  }
0x1b: {  	[sflag:s15] =	ssyncadd.s32 $0xFFFE7900  }
0x1c: {  	[tilespmem:s16], [sflag:$0x1] =	stream.linear.gather [hbm4b:s8+s5], $0x1000, $0x38;
	[tilespmem:$0x1C700] =	vst v63  }
0x1d: {  	_ = 	snop  }
0x1e: {  	[tilespmem:s17], [sflag:$0x1] =	stream.linear.gather [hbm4b:s9+s5], $0x800, $0x38;
	[tilespmem:$0x1C700] =	vst v63  }
.Ltmp2:
0x1f: {  	_ = 	snop;
	(pc) =	sbr.rel .LBB2_2-.Ltmp2, $4  }
0x20: {  	_ = 	snop  }
0x21: {  	[tilespmem:s18], [sflag:$0x2] =	stream.linear.gather [hbm4b:s10+s5], $0x1000, $0x38;
	[tilespmem:$0x1C700] =	vst v63  }
0x22: {  	s25 =	simm.s32 $0x0  }
0x23: {  	[tilespmem:s19], [sflag:$0x2] =	stream.linear.gather [hbm4b:s11+s5], $0x800, $0x38;
	[tilespmem:$0x1C700] =	vst v63  }
.LBB2_8:
0x24: {  	s0 =	sadd.s32 s13, s26  }
0x25: {  	p1 =	sgt.u32 s0, $0xC34  }
0x26: {  	s3 =	sshll.u32 @!p1 s0, $0x9;
	s26 =	simm.s32 @!p1 $0x0  }
0x27: {  	s28 =	simm.s32 @!p1 $0x1A700;
	s0 =	sshll.u32 @!p1 s0, $0x8;
	s3 =	sadd.s32 @!p1 s1, s3  }
0x28: {  	[tilespmem:s28], [sflag:$0x2] =	stream.linear.gather @!p1 [hbm4b:s3+s26], $0x1000, $0x38;
	[tilespmem:$0x1C700] =	vst v63  }
0x29: {  	s25 =	sadd.s32 $0x1, s25;
	s0 =	sadd.s32 @!p1 s2, s0;
	s3 =	simm.s32 @!p1 $0x1B700  }
0x2a: {  	[tilespmem:s3], [sflag:$0x2] =	stream.linear.gather @!p1 [hbm4b:s0+s26], $0x800, $0x38;
	[tilespmem:$0x1C700] =	vst v63  }
0x2b: {  	p1 =	sne.s32 s25, $0x31  }
.Ltmp3:
0x2c: {  	_ = 	snop;
	(pc) =	sbr.rel @!p1 .LBB2_9-.Ltmp3, $1  }
0x2d: {  	_ =	sdelay $0x3  }
.LBB2_2:
0x2e: {  	_ =	swait.ge [sflag:s20], $0x1000  }
0x2f: {  	[sflag:s20] =	ssyncset.done $0x0  }
0x30: {  	[sflag:s20] =	ssyncadd.s32 $0xFFFFF000  }
0x31: {  	_ =	swait.ge [sflag:s20], $0x800  }
0x32: {  	p1 =	seq.s32 s25, $0x0;
	[sflag:s20] =	ssyncset.done $0x0  }
0x33: {  	s0 =	simm.s32 @!p1 $0x3;
	[sflag:s20] =	ssyncadd.s32 $0xFFFFF800  }
0x34: {  	_ =	swait.ge @!p1 [sflag:s0], $0x800  }
0x35: {  	[sflag:s0] =	ssyncset.done @!p1 $0x0  }
0x36: {  	s26 =	simm.s32 $0x18780;
	[sflag:s0] =	ssyncadd.s32 @!p1 $0xFFFFF800  }
0x37: {  	v0 =	vld [tilespmem:s26+$0xFFFFFFF0]  }
0x38: {  	v1 =	vld [tilespmem:s26+$0x70]  }
0x39: {  	v2 =	vld [tilespmem:s26+$0x0]  }
0x3a: {  	v3 =	vld [tilespmem:s26+$0xFFFFFF90]  }
0x3b: {  	v4 =	vld [tilespmem:s26+$0x10]  }
0x3c: {  	v5 =	vld [tilespmem:s26+$0xFFFFFFA0]  }
0x3d: {  	v6 =	vld [tilespmem:s26+$0x20]  }
0x3e: {  	v8 =	vld [tilespmem:s26+$0xFFFFFFB0]  }
0x3f: {  	v9 =	vld [tilespmem:s26+$0x30]  }
0x40: {  	v10 =	vld [tilespmem:s26+$0xFFFFFFC0]  }
0x41: {  	v11 =	vld [tilespmem:s26+$0x40]  }
0x42: {  	v12 =	vld [tilespmem:s26+$0xFFFFFFD0]  }
0x43: {  	v0 =	vld.idx.msk [tilespmem:v0+s5+$0x0], $0xffff  }
0x44: {  	v1 =	vld.idx.msk [tilespmem:v1+s5+$0x0], $0xffff  }
0x45: {  	v13 =	vld [tilespmem:s26+$0x50]  }
0x46: {  	s3 =	simm.s32 $0x19740;
	v14 =	vld [tilespmem:s26+$0xFFFFFFE0]  }
0x47: {  	v17 =	vld [tilespmem:s3+$0x0]  }
0x48: {  	v18 =	vld [tilespmem:s3+$0x10]  }
0x49: {  	v2 =	vld.idx.msk [tilespmem:v2+s5+$0x0], $0xffff;
	v7 =	vadd.f32 v1, v0  }
0x4a: {  	v1 =	vld [tilespmem:s26+$0xFFFFFF80]  }
0x4b: {  	v3 =	vld.idx.msk [tilespmem:v3+s5+$0x0], $0xffff;
	(erf) = vrcp.f32 v7  }
0x4c: {  	v15 =	vld.idx.msk [tilespmem:v4+s5+$0x0], $0xffff  }
0x4d: {  	v5 =	vld.idx.msk [tilespmem:v5+s5+$0x0], $0xffff  }
0x4e: {  	v4 =	vld [tilespmem:s3+$0x30]  }
0x4f: {  	v6 =	vld.idx.msk [tilespmem:v6+s5+$0x0], $0xffff  }
0x50: {  	v8 =	vld.idx.msk [tilespmem:v8+s5+$0x0], $0xffff  }
0x51: {  	v0 =	vld [tilespmem:s26+$0x60]  }
0x52: {  	v1 =	vld.idx.msk [tilespmem:v1+s5+$0x0], $0xffff  }
0x53: {  	v9 =	vld.idx.msk [tilespmem:v9+s5+$0x0], $0xffff;
	v3 =	vadd.f32 v15, v3  }
0x54: {  	v10 =	vld.idx.msk [tilespmem:v10+s5+$0x0], $0xffff;
	v5 =	vadd.f32 v6, v5;
	v16 =	vpop (erf)  }
0x55: {  	v11 =	vld.idx.msk [tilespmem:v11+s5+$0x0], $0xffff;
	(erf) = vrcp.f32 v3;
	v16 =	vmul.f32 v16, v4  }
0x56: {  	v12 =	vld.idx.msk [tilespmem:v12+s5+$0x0], $0xffff;
	(erf) = vrcp.f32 v5  }
0x57: {  	v13 =	vld.idx.msk [tilespmem:v13+s5+$0x0], $0xffff;
	v2 =	vadd.f32 v2, v1;
	v15 =	vmul.f32 $1.371428590e+01, v16  }
0x58: {  	v6 =	vld.idx.msk [tilespmem:v14+s5+$0x0], $0xffff  }
0x59: {  	v8 =	vadd.f32 v9, v8;
	v14 =	vld [tilespmem:s3+$0xFFFFFFC0];
	(erf) = vrcp.f32 v2;
	v1 =	vsub.f32 $1.428571410e+01, v15  }
0x5a: {  	v0 =	vld.idx.msk [tilespmem:v0+s5+$0x0], $0xffff  }
0x5b: {  	v10 =	vadd.f32 v11, v10;
	v11 =	vld [tilespmem:s3+$0xFFFFFFE0];
	(erf) = vrcp.f32 v8;
	v1 =	vmul.f32 $1.442695020e+00, v1  }
0x5c: {  	v12 =	vadd.f32 v13, v12;
	v13 =	vld [tilespmem:s3+$0x20]  }
0x5d: {  	s26 =	simm.s32 $0x18880;
	v15 =	vld [tilespmem:s3+$0xFFFFFFD0];
	(erf) = vpow2.f32 v1  }
0x5e: {  	v19 =	vld [tilespmem:s26+$0x70];
	v9 =	vpop (erf);
	(erf) = vrcp.f32 v10  }
0x5f: {  	v21 =	vld [tilespmem:s26+$0x0];
	v20 =	vadd.f32 v0, v6;
	v0 =	vpop (erf);
	(erf) = vrcp.f32 v12  }
0x60: {  	v16 =	vld [tilespmem:s3+$0xFFFFFFF0];
	v0 =	vmul.f32 v0, v11  }
0x61: {  	v1 =	vld [tilespmem:s26+$0xFFFFFFF0]  }
0x62: {  	v22 =	vld [tilespmem:s26+$0xFFFFFF90];
	v0 =	vmul.f32 $1.371428590e+01, v0;
	v6 =	vmul.f32 v9, v15;
	v9 =	vpop (erf)  }
0x63: {  	v24 =	vld [tilespmem:s26+$0x10];
	(erf) = vrcp.f32 v20;
	v9 =	vmul.f32 v9, v14  }
0x64: {  	v26 =	vld [tilespmem:s26+$0xFFFFFFA0];
	v6 =	vmul.f32 $1.371428590e+01, v6;
	v23 =	vpop (erf)  }
0x65: {  	v28 =	vld [tilespmem:s26+$0x20];
	v0 =	vsub.f32 $1.428571410e+01, v0;
	v23 =	vmul.f32 v23, v16;
	v9 =	vmul.f32 $1.371428590e+01, v9  }
0x66: {  	v29 =	vld [tilespmem:s26+$0xFFFFFFB0];
	v6 =	vsub.f32 $1.428571410e+01, v6;
	v25 =	vpop (erf)  }
0x67: {  	v0 =	vmul.f32 $1.442695020e+00, v0;
	v23 =	vmul.f32 $1.371428590e+01, v23;
	v9 =	vsub.f32 $1.428571410e+01, v9;
	v27 =	vpop (erf)  }
0x68: {  	v19 =	vld.idx.msk [tilespmem:v19+s5+$0x0], $0xffff;
	v6 =	vmul.f32 $1.442695020e+00, v6;
	v25 =	vadd.f32 $1.000000000e+00, v25;
	v27 =	vmul.f32 v27, v17;
	v30 =	vpop (erf)  }
0x69: {  	v1 =	vld.idx.msk [tilespmem:v1+s5+$0x0], $0xffff;
	v23 =	vsub.f32 $1.428571410e+01, v23;
	v9 =	vmul.f32 $1.442695020e+00, v9;
	v30 =	vmul.f32 v30, v18  }
0x6a: {  	v31 =	vld [tilespmem:s26+$0x30];
	(erf) = vrcp.f32 v25;
	v27 =	vmul.f32 $1.371428590e+01, v27  }
0x6b: {  	v32 =	vld [tilespmem:s26+$0x40];
	(erf) = vpow2.f32 v9;
	v9 =	vmul.f32 $1.442695020e+00, v23  }
0x6c: {  	v33 =	vld [tilespmem:s26+$0x50];
	v30 =	vmul.f32 $1.371428590e+01, v30;
	(erf) = vpow2.f32 v6;
	v6 =	vpop (erf)  }
0x6d: {  	v34 =	vld [tilespmem:s26+$0xFFFFFFE0];
	v27 =	vsub.f32 $1.428571410e+01, v27;
	(erf) = vpow2.f32 v0;
	v0 =	vmul.f32 v6, v13  }
0x6e: {  	v21 =	vld.idx.msk [tilespmem:v21+s5+$0x0], $0xffff;
	v6 =	vadd.f32 v19, v1;
	v1 =	vmul.f32 $7.500000000e-01, v3;
	(erf) = vpow2.f32 v9  }
0x6f: {  	v26 =	vld.idx.msk [tilespmem:v26+s5+$0x0], $0xffff;
	v9 =	vmul.f32 $7.500000000e-01, v2;
	v27 =	vmul.f32 $1.442695020e+00, v27  }
0x70: {  	v28 =	vld.idx.msk [tilespmem:v28+s5+$0x0], $0xffff;
	v3 =	vsub.f32 $1.428571410e+01, v30;
	v2 =	vmul.f32 $7.500000000e-01, v10;
	v19 =	vmul.f32 $1.371428590e+01, v0  }
0x71: {  	v23 =	vld [tilespmem:s26+$0xFFFFFFD0];
	v0 =	vmul.f32 $7.500000000e-01, v5;
	(erf) = vpow2.f32 v27  }
0x72: {  	v10 =	vld.idx.msk [tilespmem:v24+s5+$0x0], $0xffff;
	v5 =	vmul.f32 $1.442695020e+00, v3;
	(erf) = vrcp.f32 v6  }
0x73: {  	v27 =	vld [tilespmem:s26+$0xFFFFFF80]  }
0x74: {  	v3 =	vmul.f32 $7.500000000e-01, v8;
	v8 =	vsub.f32 $1.428571410e+01, v19;
	v19 =	vld.idx.msk [tilespmem:v22+s5+$0x0], $0xffff;
	(erf) = vpow2.f32 v5  }
0x75: {  	v36 =	vmul.f32 $7.500000000e-01, v7;
	v25 =	vld [tilespmem:s26+$0xFFFFFFC0];
	v22 =	vpop (erf)  }
0x76: {  	s31 =	simm.s32 $0x197C0;
	v31 =	vld.idx.msk [tilespmem:v31+s5+$0x0], $0xffff;
	v26 =	vadd.f32 v28, v26;
	v15 =	vsub.f32 v15, v1;
	v8 =	vmul.f32 $1.442695020e+00, v8;
	v24 =	vpop (erf)  }
0x77: {  	v14 =	vsub.f32 v14, v9;
	v7 =	vsub.f32 v17, v2;
	v5 =	vmul.f32 $7.500000000e-01, v12;
	v12 =	vld [tilespmem:s31+$0x30];
	v35 =	vpop (erf)  }
0x78: {  	v30 =	vld [tilespmem:s26+$0x60];
	v24 =	vadd.f32 $1.000000000e+00, v24;
	(erf) = vpow2.f32 v8;
	v8 =	vsub.f32 v16, v3;
	v37 =	vpop (erf)  }
0x79: {  	v63 =	vld.idx.msk [tilespmem:v33+s5+$0x0], $0xffff;
	v35 =	vadd.f32 $1.000000000e+00, v35;
	v19 =	vadd.f32 v10, v19;
	v17 =	vpop (erf)  }
0x7a: {  	v16 =	vld.idx.msk [tilespmem:v29+s5+$0x0], $0xffff;
	(erf) = vrcp.f32 v24;
	v24 =	vsub.f32 v4, v36;
	v29 =	vadd.f32 $1.000000000e+00, v37;
	v62 =	vpop (erf)  }
0x7b: {  	v4 =	vmul.f32 $7.500000000e-01, v20;
	(erf) = vrcp.f32 v35;
	v17 =	vadd.f32 $1.000000000e+00, v17;
	v27 =	vld.idx.msk [tilespmem:v27+s5+$0x0], $0xffff;
	v20 =	vpop (erf)  }
0x7c: {  	v23 =	vld.idx.msk [tilespmem:v23+s5+$0x0], $0xffff;
	v10 =	vsub.f32 v18, v5;
	(erf) = vrcp.f32 v29;
	v20 =	vmul.f32 v20, v12  }
0x7d: {  	v18 =	vld.idx.msk [tilespmem:v25+s5+$0x0], $0xffff;
	v22 =	vmul.f32 v22, v24;
	(erf) = vrcp.f32 v17;
	v24 =	vadd.f32 $1.000000000e+00, v62;
	v25 =	vpop (erf)  }
0x7e: {  	v17 =	vld.idx.msk [tilespmem:v32+s5+$0x0], $0xffff;
	(erf) = vrcp.f32 v19;
	v25 =	vadd.f32 $1.000000000e+00, v25;
	v20 =	vmul.f32 $1.371428590e+01, v20  }
0x7f: {  	v16 =	vadd.f32 v31, v16;
	v19 =	vmul.f32 $7.500000000e-01, v19;
	(erf) = vrcp.f32 v24  }
0x80: {  	v31 =	vld.idx.msk [tilespmem:v30+s5+$0x0], $0xffff;
	v21 =	vadd.f32 v21, v27;
	(erf) = vrcp.f32 v26;
	v27 =	vsub.f32 $1.428571410e+01, v20  }
0x81: {  	v11 =	vsub.f32 v11, v0;
	v24 =	vld.idx.msk [tilespmem:v34+s5+$0x0], $0xffff;
	(erf) = vrcp.f32 v25;
	v20 =	vmul.f32 $7.500000000e-01, v26  }
0x82: {  	v38 =	vld [tilespmem:s31+$0xFFFFFFD0];
	v23 =	vadd.f32 v63, v23;
	v25 =	vpop (erf);
	(erf) = vrcp.f32 v21;
	v26 =	vmul.f32 $1.442695020e+00, v27  }
0x83: {  	v35 =	vld [tilespmem:s31+$0xFFFFFFC0];
	v18 =	vadd.f32 v17, v18;
	v30 =	vpop (erf);
	(erf) = vrcp.f32 v16;
	v25 =	vadd.f32 $1.000000000e+00, v25  }
0x84: {  	v13 =	vsub.f32 v13, v4;
	v29 =	vld [tilespmem:s31+$0xFFFFFFE0];
	v21 =	vmul.f32 $7.500000000e-01, v21;
	v32 =	vpop (erf);
	(erf) = vpow2.f32 v26  }
0x85: {  	v28 =	vld [tilespmem:s31+$0xFFFFFFF0];
	v36 =	vadd.f32 v22, v36;
	v17 =	vmul.f32 $7.500000000e-01, v18;
	v33 =	vpop (erf);
	(erf) = vrcp.f32 v18  }
0x86: {  	v16 =	vmul.f32 $7.500000000e-01, v16;
	v27 =	vld [tilespmem:s31+$0x0];
	v34 =	vadd.f32 v31, v24;
	v22 =	vpop (erf);
	(erf) = vrcp.f32 v25  }
0x87: {  	s30 =	simm.s32 $0x19F40;
	s29 =	simm.s32 $0x19F40;
	s26 =	sshll.u32 s25, $0x6;
	v24 =	vsub.f32 v38, v19;
	v30 =	vmul.f32 v30, v14;
	v26 =	vld [tilespmem:s31+$0x10];
	v25 =	vpop (erf);
	(erf) = vrcp.f32 v23  }
0x88: {  	s0 =	simm.s32 $0x80;
	s3 =	simm.s32 $0x18980;
	s28 =	sor.u32 s6, s26;
	[tilespmem:s30+$0x30] =	vst v36;
	v14 =	vsub.f32 v35, v21;
	v18 =	vmul.f32 $7.500000000e-01, v23;
	v36 =	vmul.f32 v25, v38;
	v25 =	vld [tilespmem:s31+$0x20];
	v23 =	vpop (erf)  }
.LBB2_3:
0x89: {  	v37 =	vld [tilespmem:s3+$0xFFFFFFF0];
	v38 =	vsub.f32 v29, v20;
	v31 =	vmul.f32 $7.500000000e-01, v34;
	v39 =	vpop (erf);
	(erf) = vrcp.f32 v34  }
0x8a: {  	s0 =	sadd.s32 $0x80, s0;
	v34 =	vld [tilespmem:s3+$0x70];
	v44 =	vmul.f32 $1.371428590e+01, v36;
	v29 =	vmul.f32 v39, v29;
	v39 =	vsub.f32 v28, v16;
	v40 =	vpop (erf)  }
0x8b: {  	v15 =	vmul.f32 v32, v15;
	v32 =	vmul.f32 v33, v11;
	p2 =	slt.u32 s0, $0x780;
	v41 =	vld [tilespmem:s3+$0x0];
	v42 =	vsub.f32 v27, v17;
	v43 =	vpop (erf)  }
0x8c: {  	v33 =	vld [tilespmem:s3+$0xFFFFFF90];
	v11 =	vmul.f32 v43, v35;
	v35 =	vsub.f32 $1.428571410e+01, v44;
	v29 =	vmul.f32 $1.371428590e+01, v29;
	v36 =	vpop (erf)  }
0x8d: {  	v43 =	vld [tilespmem:s3+$0x10];
	v28 =	vmul.f32 v36, v28;
	v36 =	vsub.f32 v26, v18;
	v44 =	vsub.f32 v25, v31;
	v45 =	vpop (erf)  }
0x8e: {  	v46 =	vld [tilespmem:s3+$0xFFFFFFA0];
	v50 =	vmul.f32 $1.371428590e+01, v11;
	v29 =	vsub.f32 $1.428571410e+01, v29;
	v45 =	vadd.f32 $1.000000000e+00, v45;
	v47 =	vpop (erf)  }
0x8f: {  	v51 =	vadd.f32 v30, v9;
	v48 =	vld [tilespmem:s3+$0x20];
	v28 =	vmul.f32 $1.371428590e+01, v28;
	v27 =	vmul.f32 v47, v27;
	v30 =	vpop (erf)  }
0x90: {  	v35 =	vmul.f32 $1.442695020e+00, v35;
	v47 =	vld [tilespmem:s3+$0xFFFFFFB0];
	v49 =	vsub.f32 $1.428571410e+01, v50;
	v11 =	vpop (erf);
	(erf) = vrcp.f32 v45  }
0x91: {  	v37 =	vld.idx.msk [tilespmem:v37+s5+$0x0], $0xffff;
	v28 =	vsub.f32 $1.428571410e+01, v28;
	v27 =	vmul.f32 $1.371428590e+01, v27;
	v26 =	vmul.f32 v11, v26;
	[tilespmem:s30+$0xFFFFFFC0] =	vst v51;
	v11 =	vmovc v38  }
0x92: {  	v29 =	vmul.f32 $1.442695020e+00, v29;
	v34 =	vld.idx.msk [tilespmem:v34+s5+$0x0], $0xffff;
	v38 =	vmul.f32 $1.442695020e+00, v49;
	v9 =	vpop (erf);
	v49 =	vadd.f32 v15, v1  }
0x93: {  	v1 =	vmovc v19;
	v45 =	vld [tilespmem:s3+$0x30];
	v27 =	vsub.f32 $1.428571410e+01, v27;
	v26 =	vmul.f32 $1.371428590e+01, v26;
	v25 =	vmul.f32 v9, v25;
	v9 =	vmovc v21  }
0x94: {  	v15 =	vmovc v24;
	v21 =	vmul.f32 $1.442695020e+00, v28;
	v28 =	vadd.f32 v32, v0;
	v0 =	vmovc v20;
	v19 =	vld [tilespmem:s3+$0xFFFFFFC0];
	(erf) = vpow2.f32 v38;
	[tilespmem:s30+$0xFFFFFFD0] =	vst v49  }
0x95: {  	v20 =	vld [tilespmem:s3+$0x40];
	v24 =	vsub.f32 $1.428571410e+01, v26;
	v25 =	vmul.f32 $1.371428590e+01, v25;
	(erf) = vpow2.f32 v35  }
0x96: {  	v32 =	vmul.f32 $7.500000000e-01, v6;
	v35 =	vmul.f32 $1.442695020e+00, v27;
	v26 =	vld [tilespmem:s3+$0xFFFFFFD0];
	[tilespmem:s30+$0xFFFFFFE0] =	vst v28  }
0x97: {  	v28 =	vld [tilespmem:s3+$0x50];
	v24 =	vmul.f32 $1.442695020e+00, v24;
	v25 =	vsub.f32 $1.428571410e+01, v25;
	(erf) = vpow2.f32 v29  }
0x98: {  	v12 =	vsub.f32 v12, v32;
	v6 =	vadd.f32 v34, v37;
	v29 =	vld [tilespmem:s3+$0xFFFFFFE0];
	(erf) = vpow2.f32 v21  }
0x99: {  	v21 =	vld [tilespmem:s3+$0x60];
	v25 =	vmul.f32 $1.442695020e+00, v25;
	(erf) = vpow2.f32 v35;
	v27 =	vpop (erf)  }
0x9a: {  	v34 =	vld [tilespmem:s3+$0xFFFFFF80];
	(erf) = vrcp.f32 v6;
	v12 =	vmul.f32 v27, v12  }
0x9b: {  	v22 =	vmul.f32 v22, v8;
	v8 =	vmov v39;
	v27 =	vld.idx.msk [tilespmem:v41+s5+$0x0], $0xffff;
	(erf) = vpow2.f32 v24  }
0x9c: {  	v23 =	vmul.f32 v23, v7;
	v7 =	vmovc v42;
	v24 =	vld.idx.msk [tilespmem:v33+s5+$0x0], $0xffff;
	v12 =	vadd.f32 v12, v32;
	(erf) = vpow2.f32 v25  }
0x9d: {  	v30 =	vmul.f32 v30, v13;
	s30 =	sadd.s32 $0x80, s30;
	v37 =	vadd.f32 v22, v3;
	v22 =	vmul.f32 v40, v10;
	v25 =	vld.idx.msk [tilespmem:v43+s5+$0x0], $0xffff;
	v32 =	vpop (erf)  }
0x9e: {  	s31 =	sadd.s32 $0x80, s31;
	v23 =	vadd.f32 v23, v2;
	v10 =	vmov v36;
	v33 =	vld.idx.msk [tilespmem:v46+s5+$0x0], $0xffff;
	v32 =	vadd.f32 $1.000000000e+00, v32;
	[tilespmem:s30+$0x30] =	vst v12;
	v13 =	vpop (erf)  }
0x9f: {  	v2 =	vmovc v17;
	v3 =	vmovc v16;
	v36 =	vadd.f32 v22, v5;
	v12 =	vld [tilespmem:s31+$0x30];
	v35 =	vadd.f32 $1.000000000e+00, v13;
	[tilespmem:s29+$0xFFFFFFF0] =	vst v37;
	v13 =	vmov v44  }
0xa0: {  	v22 =	vadd.f32 v30, v4;
	v4 =	vmov v31;
	v16 =	vld.idx.msk [tilespmem:v48+s5+$0x0], $0xffff;
	(erf) = vrcp.f32 v32;
	v17 =	vpop (erf);
	[tilespmem:s29+$0x0] =	vst v23  }
0xa1: {  	v5 =	vmov v18;
	v23 =	vld.idx.msk [tilespmem:v47+s5+$0x0], $0xffff;
	v17 =	vadd.f32 $1.000000000e+00, v17;
	(erf) = vrcp.f32 v35;
	v30 =	vpop (erf);
	[tilespmem:s29+$0x10] =	vst v36  }
0xa2: {  	v18 =	vld.idx.msk [tilespmem:v34+s5+$0x0], $0xffff;
	v32 =	vadd.f32 $1.000000000e+00, v30;
	v31 =	vpop (erf);
	[tilespmem:s29+$0x20] =	vst v22;
	s29 =	smov.u32 s30  }
0xa3: {  	v22 =	vadd.f32 v25, v24;
	v24 =	vld.idx.msk [tilespmem:v45+s5+$0x0], $0xffff;
	v25 =	vpop (erf);
	v31 =	vadd.f32 $1.000000000e+00, v31;
	(erf) = vrcp.f32 v17  }
0xa4: {  	v17 =	vld.idx.msk [tilespmem:v19+s5+$0x0], $0xffff;
	v25 =	vmul.f32 v25, v12;
	(erf) = vrcp.f32 v32;
	v30 =	vpop (erf)  }
0xa5: {  	v19 =	vmul.f32 $7.500000000e-01, v22;
	v34 =	vld.idx.msk [tilespmem:v20+s5+$0x0], $0xffff;
	(erf) = vrcp.f32 v22;
	v22 =	vadd.f32 $1.000000000e+00, v30;
	v20 =	vpop (erf)  }
0xa6: {  	v16 =	vadd.f32 v16, v33;
	v26 =	vld.idx.msk [tilespmem:v26+s5+$0x0], $0xffff;
	v25 =	vmul.f32 $1.371428590e+01, v25;
	v36 =	vadd.f32 $1.000000000e+00, v20  }
0xa7: {  	v30 =	vld.idx.msk [tilespmem:v28+s5+$0x0], $0xffff;
	(erf) = vrcp.f32 v31  }
0xa8: {  	v18 =	vadd.f32 v27, v18;
	v31 =	vld.idx.msk [tilespmem:v29+s5+$0x0], $0xffff;
	v25 =	vsub.f32 $1.428571410e+01, v25;
	(erf) = vrcp.f32 v16  }
0xa9: {  	v20 =	vmul.f32 $7.500000000e-01, v16;
	v16 =	vadd.f32 v24, v23;
	v23 =	vld.idx.msk [tilespmem:v21+s5+$0x0], $0xffff;
	v24 =	vpop (erf);
	(erf) = vrcp.f32 v22  }
0xaa: {  	v35 =	vld [tilespmem:s31+$0xFFFFFFC0];
	v27 =	vmul.f32 $1.442695020e+00, v25;
	(erf) = vrcp.f32 v18;
	v32 =	vpop (erf)  }
0xab: {  	v21 =	vmul.f32 $7.500000000e-01, v18;
	v18 =	vadd.f32 v34, v17;
	v25 =	vld [tilespmem:s31+$0xFFFFFFD0];
	(erf) = vrcp.f32 v16  }
.Ltmp4:
0xac: {  	v16 =	vmul.f32 $7.500000000e-01, v16;
	v29 =	vld [tilespmem:s31+$0xFFFFFFE0];
	(erf) = vpow2.f32 v27;
	v33 =	vpop (erf);
	(pc) =	sbr.rel @p2 .LBB2_3-.Ltmp4, $4  }
0xad: {  	v17 =	vmul.f32 $7.500000000e-01, v18;
	v37 =	vadd.f32 v30, v26;
	v28 =	vld [tilespmem:s31+$0xFFFFFFF0];
	(erf) = vrcp.f32 v18;
	v22 =	vpop (erf)  }
0xae: {  	v30 =	vmul.f32 v24, v14;
	v27 =	vld [tilespmem:s31+$0x0];
	v38 =	vpop (erf);
	(erf) = vrcp.f32 v36  }
0xaf: {  	v18 =	vmul.f32 $7.500000000e-01, v37;
	v34 =	vadd.f32 v23, v31;
	v26 =	vld [tilespmem:s31+$0x10];
	(erf) = vrcp.f32 v37  }
0xb0: {  	s3 =	sadd.s32 $0x100, s3;
	v14 =	vsub.f32 v35, v21;
	v36 =	vmul.f32 v38, v25;
	v24 =	vsub.f32 v25, v19;
	v25 =	vld [tilespmem:s31+$0x20];
	v23 =	vpop (erf)  }
0xb1: {  	v31 =	vpop (erf)  }
0xb2: {  	(erf) = vrcp.f32 v34;
	v37 =	vpop (erf)  }
0xb3: {  	v38 =	vpop (erf)  }
0xb4: {  	v35 =	vmul.f32 v38, v35;
	_ =	sdelay $0x1  }
0xb5: {  	v31 =	vmul.f32 v31, v29;
	v49 =	vpop (erf);
	v35 =	vmul.f32 $1.371428590e+01, v35  }
0xb6: {  	v36 =	vmul.f32 $1.371428590e+01, v36;
	v38 =	vmul.f32 v49, v28;
	v39 =	vpop (erf)  }
0xb7: {  	v31 =	vmul.f32 $1.371428590e+01, v31;
	v39 =	vadd.f32 $1.000000000e+00, v39;
	v40 =	vpop (erf);
	v35 =	vsub.f32 $1.428571410e+01, v35  }
0xb8: {  	v38 =	vmul.f32 $1.371428590e+01, v38;
	v41 =	vpop (erf);
	v40 =	vmul.f32 v40, v27  }
0xb9: {  	(erf) = vrcp.f32 v39;
	v50 =	vpop (erf);
	v35 =	vmul.f32 $1.442695020e+00, v35  }
0xba: {  	v36 =	vsub.f32 $1.428571410e+01, v36;
	v39 =	vmul.f32 v50, v26;
	v40 =	vmul.f32 $1.371428590e+01, v40;
	v51 =	vpop (erf)  }
0xbb: {  	v31 =	vsub.f32 $1.428571410e+01, v31;
	(erf) = vpow2.f32 v35;
	v35 =	vmul.f32 v51, v25  }
0xbc: {  	v36 =	vmul.f32 $1.442695020e+00, v36;
	v38 =	vsub.f32 $1.428571410e+01, v38;
	v39 =	vmul.f32 $1.371428590e+01, v39  }
0xbd: {  	v31 =	vmul.f32 $1.442695020e+00, v31;
	v40 =	vsub.f32 $1.428571410e+01, v40;
	v35 =	vmul.f32 $1.371428590e+01, v35  }
0xbe: {  	v38 =	vmul.f32 $1.442695020e+00, v38;
	v39 =	vsub.f32 $1.428571410e+01, v39;
	(erf) = vpow2.f32 v36  }
0xbf: {  	v52 =	vmul.f32 $1.442695020e+00, v40;
	(erf) = vpow2.f32 v31;
	v35 =	vsub.f32 $1.428571410e+01, v35  }
0xc0: {  	v53 =	vmul.f32 $1.442695020e+00, v39;
	(erf) = vpow2.f32 v38  }
0xc1: {  	(erf) = vpow2.f32 v52;
	v35 =	vmul.f32 $1.442695020e+00, v35  }
0xc2: {  	(erf) = vpow2.f32 v53  }
0xc3: {  	(erf) = vpow2.f32 v35;
	_ =	sdelay $0x1  }
0xc4: {  	v54 =	vpop (erf)  }
0xc5: {  	v55 =	vpop (erf)  }
0xc6: {  	v35 =	vadd.f32 $1.000000000e+00, v55;
	v56 =	vpop (erf)  }
0xc7: {  	v36 =	vadd.f32 $1.000000000e+00, v56;
	v57 =	vpop (erf)  }
0xc8: {  	(erf) = vrcp.f32 v35;
	v58 =	vadd.f32 $1.000000000e+00, v57;
	v59 =	vpop (erf)  }
0xc9: {  	v15 =	vmul.f32 v32, v15;
	(erf) = vrcp.f32 v36;
	v35 =	vadd.f32 $1.000000000e+00, v59;
	v60 =	vpop (erf)  }
0xca: {  	v6 =	vmul.f32 $7.500000000e-01, v6;
	v61 =	vadd.f32 $1.000000000e+00, v60;
	(erf) = vrcp.f32 v58;
	v62 =	vpop (erf)  }
0xcb: {  	v11 =	vmul.f32 v33, v11;
	(erf) = vrcp.f32 v35;
	v32 =	vadd.f32 $1.000000000e+00, v62;
	v63 =	vpop (erf)  }
0xcc: {  	v9 =	vadd.f32 v30, v9;
	(erf) = vrcp.f32 v61;
	v35 =	vadd.f32 $1.000000000e+00, v63  }
0xcd: {  	v1 =	vadd.f32 v15, v1;
	v43 =	vmul.f32 v41, v13;
	(erf) = vrcp.f32 v32  }
0xce: {  	v8 =	vmul.f32 v22, v8;
	[tilespmem:s30+$0xFFFFFFC0] =	vst v9;
	v0 =	vadd.f32 v11, v0;
	(erf) = vrcp.f32 v35  }
0xcf: {  	v12 =	vsub.f32 v12, v6;
	[tilespmem:s30+$0xFFFFFFD0] =	vst v1;
	v50 =	vadd.f32 v43, v4;
	v40 =	vmul.f32 v37, v10  }
0xd0: {  	[tilespmem:s30+$0xFFFFFFE0] =	vst v0;
	v38 =	vmul.f32 v23, v7;
	v39 =	vadd.f32 v8, v3  }
0xd1: {  	v42 =	vsub.f32 v29, v20;
	[tilespmem:s29+$0x20] =	vst v50;
	v47 =	vadd.f32 v40, v5;
	v12 =	vmul.f32 v54, v12;
	v45 =	vpop (erf)  }
0xd2: {  	v46 =	vmul.f32 $7.500000000e-01, v34;
	v44 =	vadd.f32 v38, v2;
	[tilespmem:s29+$0xFFFFFFF0] =	vst v39;
	v48 =	vpop (erf);
	v2 =	vmul.f32 v45, v14  }
0xd3: {  	v49 =	vsub.f32 v28, v16;
	[tilespmem:s29+$0x10] =	vst v47;
	v36 =	vadd.f32 v12, v6;
	v51 =	vpop (erf);
	v3 =	vmul.f32 v48, v24  }
0xd4: {  	s0 =	sadd.s32 $0x80, s30;
	v52 =	vsub.f32 v27, v17;
	[tilespmem:s29+$0x0] =	vst v44;
	v53 =	vpop (erf);
	v4 =	vmul.f32 v51, v42;
	v2 =	vadd.f32 v2, v21  }
0xd5: {  	v54 =	vsub.f32 v26, v18;
	[tilespmem:s0+$0x30] =	vst v36;
	v55 =	vpop (erf);
	v3 =	vadd.f32 v3, v19;
	v0 =	vmul.f32 v53, v49  }
0xd6: {  	v56 =	vsub.f32 v25, v46;
	v57 =	vpop (erf);
	[tilespmem:s0+$0xFFFFFFC0] =	vst v2;
	v58 =	vadd.f32 v4, v20;
	v1 =	vmul.f32 v55, v52  }
0xd7: {  	[tilespmem:s0+$0xFFFFFFD0] =	vst v3;
	v0 =	vadd.f32 v0, v16;
	v60 =	vmul.f32 v57, v54;
	v59 =	vpop (erf)  }
0xd8: {  	[tilespmem:s0+$0xFFFFFFE0] =	vst v58;
	v1 =	vadd.f32 v1, v17;
	v61 =	vmul.f32 v59, v56  }
0xd9: {  	[tilespmem:s0+$0xFFFFFFF0] =	vst v0;
	v62 =	vadd.f32 v60, v18  }
0xda: {  	[tilespmem:s0+$0x0] =	vst v1;
	v63 =	vadd.f32 v61, v46  }
0xdb: {  	s3 =	sshll.u32 s28, $0x8;
	[tilespmem:s0+$0x10] =	vst v62  }
0xdc: {  	s31 =	sadd.s32 s4, s3;
	[tilespmem:s0+$0x20] =	vst v63;
	s0 =	sadd.s32 s12, s26  }
0xdd: {  	[hbm4b:s31+s5] =	stream.linear.scatter [tilespmem:s21], [sflag:$0x3], $0x800, $0x38;
	[tilespmem:$0x1C700] =	vst v63  }
0xde: {  	p2 =	sgt.u32 s0, $0xC34  }
0xdf: {  	s3 =	sshll.u32 @!p2 s0, $0x9;
	s29 =	simm.s32 @!p2 $0x0  }
0xe0: {  	s30 =	simm.s32 @!p2 $0x18700;
	s0 =	sshll.u32 @!p2 s0, $0x8;
	s3 =	sadd.s32 @!p2 s1, s3  }
0xe1: {  	[tilespmem:s30], [sflag:$0x1] =	stream.linear.gather @!p2 [hbm4b:s3+s29], $0x1000, $0x38;
	[tilespmem:$0x1C700] =	vst v63  }
0xe2: {  	s28 =	sor.u32 $0x20, s28;
	s0 =	sadd.s32 @!p2 s2, s0;
	s3 =	simm.s32 @!p2 $0x19700  }
0xe3: {  	[tilespmem:s3], [sflag:$0x1] =	stream.linear.gather @!p2 [hbm4b:s0+s29], $0x800, $0x38;
	[tilespmem:$0x1C700] =	vst v63  }
0xe4: {  	p2 =	sgt.u32 s28, $0xC34  }
0xe5: {  	s0 =	simm.s32 @!p2 $0x2  }
0xe6: {  	_ =	swait.ge @!p2 [sflag:s0], $0x1000  }
0xe7: {  	[sflag:s0] =	ssyncset.done @!p2 $0x0  }
0xe8: {  	[sflag:s0] =	ssyncadd.s32 @!p2 $0xFFFFF000  }
0xe9: {  	_ =	swait.ge @!p2 [sflag:s0], $0x800  }
.Ltmp5:
0xea: {  	[sflag:s0] =	ssyncset.done @!p2 $0x0;
	(pc) =	sbr.rel @p2 .LBB2_8-.Ltmp5, $4  }
0xeb: {  	[sflag:s0] =	ssyncadd.s32 @!p2 $0xFFFFF800;
	s0 =	simm.s32 @!p1 $0x4  }
0xec: {  	_ =	swait.ge @!p1 [sflag:s0], $0x800  }
0xed: {  	[sflag:s0] =	ssyncset.done @!p1 $0x0  }
0xee: {  	[sflag:s0] =	ssyncadd.s32 @!p1 $0xFFFFF800  }
0xef: {  	s0 =	simm.s32 $0x1A780  }
0xf0: {  	v0 =	vld [tilespmem:s0+$0xFFFFFFF0]  }
0xf1: {  	v1 =	vld [tilespmem:s0+$0x70]  }
0xf2: {  	v2 =	vld [tilespmem:s0+$0x0]  }
0xf3: {  	v3 =	vld [tilespmem:s0+$0xFFFFFF90]  }
0xf4: {  	v4 =	vld [tilespmem:s0+$0x10]  }
0xf5: {  	v5 =	vld [tilespmem:s0+$0xFFFFFFA0]  }
0xf6: {  	v6 =	vld [tilespmem:s0+$0x20]  }
0xf7: {  	v8 =	vld [tilespmem:s0+$0xFFFFFFB0]  }
0xf8: {  	v9 =	vld [tilespmem:s0+$0x30]  }
0xf9: {  	v10 =	vld [tilespmem:s0+$0xFFFFFFC0]  }
0xfa: {  	v11 =	vld [tilespmem:s0+$0x40]  }
0xfb: {  	v12 =	vld [tilespmem:s0+$0xFFFFFFD0]  }
0xfc: {  	v0 =	vld.idx.msk [tilespmem:v0+s5+$0x0], $0xffff  }
0xfd: {  	v1 =	vld.idx.msk [tilespmem:v1+s5+$0x0], $0xffff  }
0xfe: {  	v13 =	vld [tilespmem:s0+$0x50]  }
0xff: {  	s3 =	simm.s32 $0x1B740;
	v14 =	vld [tilespmem:s0+$0xFFFFFFE0]  }
0x100: {  	v17 =	vld [tilespmem:s3+$0x0]  }
0x101: {  	v18 =	vld [tilespmem:s3+$0x10]  }
0x102: {  	v2 =	vld.idx.msk [tilespmem:v2+s5+$0x0], $0xffff;
	v7 =	vadd.f32 v1, v0  }
0x103: {  	v1 =	vld [tilespmem:s0+$0xFFFFFF80]  }
0x104: {  	v3 =	vld.idx.msk [tilespmem:v3+s5+$0x0], $0xffff;
	(erf) = vrcp.f32 v7  }
0x105: {  	v15 =	vld.idx.msk [tilespmem:v4+s5+$0x0], $0xffff  }
0x106: {  	v5 =	vld.idx.msk [tilespmem:v5+s5+$0x0], $0xffff  }
0x107: {  	v4 =	vld [tilespmem:s3+$0x30]  }
0x108: {  	v6 =	vld.idx.msk [tilespmem:v6+s5+$0x0], $0xffff  }
0x109: {  	v8 =	vld.idx.msk [tilespmem:v8+s5+$0x0], $0xffff  }
0x10a: {  	v0 =	vld [tilespmem:s0+$0x60]  }
0x10b: {  	v1 =	vld.idx.msk [tilespmem:v1+s5+$0x0], $0xffff  }
0x10c: {  	v9 =	vld.idx.msk [tilespmem:v9+s5+$0x0], $0xffff;
	v3 =	vadd.f32 v15, v3  }
0x10d: {  	v10 =	vld.idx.msk [tilespmem:v10+s5+$0x0], $0xffff;
	v5 =	vadd.f32 v6, v5;
	v16 =	vpop (erf)  }
0x10e: {  	v11 =	vld.idx.msk [tilespmem:v11+s5+$0x0], $0xffff;
	(erf) = vrcp.f32 v3;
	v16 =	vmul.f32 v16, v4  }
0x10f: {  	v12 =	vld.idx.msk [tilespmem:v12+s5+$0x0], $0xffff;
	(erf) = vrcp.f32 v5  }
0x110: {  	v13 =	vld.idx.msk [tilespmem:v13+s5+$0x0], $0xffff;
	v2 =	vadd.f32 v2, v1;
	v15 =	vmul.f32 $1.371428590e+01, v16  }
0x111: {  	v6 =	vld.idx.msk [tilespmem:v14+s5+$0x0], $0xffff  }
0x112: {  	v8 =	vadd.f32 v9, v8;
	v14 =	vld [tilespmem:s3+$0xFFFFFFC0];
	(erf) = vrcp.f32 v2;
	v1 =	vsub.f32 $1.428571410e+01, v15  }
0x113: {  	v0 =	vld.idx.msk [tilespmem:v0+s5+$0x0], $0xffff  }
0x114: {  	v10 =	vadd.f32 v11, v10;
	v11 =	vld [tilespmem:s3+$0xFFFFFFE0];
	(erf) = vrcp.f32 v8;
	v1 =	vmul.f32 $1.442695020e+00, v1  }
0x115: {  	v12 =	vadd.f32 v13, v12;
	v13 =	vld [tilespmem:s3+$0x20]  }
0x116: {  	v15 =	vld [tilespmem:s3+$0xFFFFFFD0];
	(erf) = vpow2.f32 v1  }
0x117: {  	v9 =	vpop (erf);
	v16 =	vld [tilespmem:s3+$0xFFFFFFF0];
	s3 =	simm.s32 $0x1A880;
	(erf) = vrcp.f32 v10  }
0x118: {  	v20 =	vadd.f32 v0, v6;
	v0 =	vpop (erf);
	v19 =	vld [tilespmem:s3+$0x70];
	(erf) = vrcp.f32 v12  }
0x119: {  	v0 =	vmul.f32 v0, v11;
	v21 =	vld [tilespmem:s3+$0x0]  }
0x11a: {  	v1 =	vld [tilespmem:s3+$0xFFFFFFF0]  }
0x11b: {  	v0 =	vmul.f32 $1.371428590e+01, v0;
	v22 =	vld [tilespmem:s3+$0xFFFFFF90];
	v6 =	vmul.f32 v9, v15;
	v9 =	vpop (erf)  }
0x11c: {  	v24 =	vld [tilespmem:s3+$0x10];
	(erf) = vrcp.f32 v20;
	v9 =	vmul.f32 v9, v14  }
0x11d: {  	v26 =	vld [tilespmem:s3+$0xFFFFFFA0];
	v6 =	vmul.f32 $1.371428590e+01, v6;
	v23 =	vpop (erf)  }
0x11e: {  	v28 =	vld [tilespmem:s3+$0x20];
	v0 =	vsub.f32 $1.428571410e+01, v0;
	v23 =	vmul.f32 v23, v16;
	v9 =	vmul.f32 $1.371428590e+01, v9  }
0x11f: {  	v29 =	vld [tilespmem:s3+$0xFFFFFFB0];
	v6 =	vsub.f32 $1.428571410e+01, v6;
	v25 =	vpop (erf)  }
0x120: {  	v0 =	vmul.f32 $1.442695020e+00, v0;
	v23 =	vmul.f32 $1.371428590e+01, v23;
	v9 =	vsub.f32 $1.428571410e+01, v9;
	v27 =	vpop (erf)  }
0x121: {  	v19 =	vld.idx.msk [tilespmem:v19+s5+$0x0], $0xffff;
	v6 =	vmul.f32 $1.442695020e+00, v6;
	v25 =	vadd.f32 $1.000000000e+00, v25;
	v27 =	vmul.f32 v27, v17;
	v30 =	vpop (erf)  }
0x122: {  	v1 =	vld.idx.msk [tilespmem:v1+s5+$0x0], $0xffff;
	v23 =	vsub.f32 $1.428571410e+01, v23;
	v9 =	vmul.f32 $1.442695020e+00, v9;
	v30 =	vmul.f32 v30, v18  }
0x123: {  	v31 =	vld [tilespmem:s3+$0x30];
	(erf) = vrcp.f32 v25;
	v27 =	vmul.f32 $1.371428590e+01, v27  }
0x124: {  	v32 =	vld [tilespmem:s3+$0x40];
	(erf) = vpow2.f32 v9;
	v9 =	vmul.f32 $1.442695020e+00, v23  }
0x125: {  	v33 =	vld [tilespmem:s3+$0x50];
	v30 =	vmul.f32 $1.371428590e+01, v30;
	(erf) = vpow2.f32 v6;
	v6 =	vpop (erf)  }
0x126: {  	v34 =	vld [tilespmem:s3+$0xFFFFFFE0];
	v27 =	vsub.f32 $1.428571410e+01, v27;
	(erf) = vpow2.f32 v0;
	v0 =	vmul.f32 v6, v13  }
0x127: {  	v21 =	vld.idx.msk [tilespmem:v21+s5+$0x0], $0xffff;
	v6 =	vadd.f32 v19, v1;
	v1 =	vmul.f32 $7.500000000e-01, v3;
	(erf) = vpow2.f32 v9  }
0x128: {  	v26 =	vld.idx.msk [tilespmem:v26+s5+$0x0], $0xffff;
	v9 =	vmul.f32 $7.500000000e-01, v2;
	v27 =	vmul.f32 $1.442695020e+00, v27  }
0x129: {  	v28 =	vld.idx.msk [tilespmem:v28+s5+$0x0], $0xffff;
	v3 =	vsub.f32 $1.428571410e+01, v30;
	v2 =	vmul.f32 $7.500000000e-01, v10;
	v19 =	vmul.f32 $1.371428590e+01, v0  }
0x12a: {  	v23 =	vld [tilespmem:s3+$0xFFFFFFD0];
	v0 =	vmul.f32 $7.500000000e-01, v5;
	(erf) = vpow2.f32 v27  }
0x12b: {  	v10 =	vld.idx.msk [tilespmem:v24+s5+$0x0], $0xffff;
	v5 =	vmul.f32 $1.442695020e+00, v3;
	(erf) = vrcp.f32 v6  }
0x12c: {  	v27 =	vld [tilespmem:s3+$0xFFFFFF80]  }
0x12d: {  	v3 =	vmul.f32 $7.500000000e-01, v8;
	v8 =	vsub.f32 $1.428571410e+01, v19;
	v19 =	vld.idx.msk [tilespmem:v22+s5+$0x0], $0xffff;
	(erf) = vpow2.f32 v5  }
0x12e: {  	v36 =	vmul.f32 $7.500000000e-01, v7;
	v25 =	vld [tilespmem:s3+$0xFFFFFFC0];
	v22 =	vpop (erf)  }
0x12f: {  	s31 =	simm.s32 $0x1B7C0;
	v31 =	vld.idx.msk [tilespmem:v31+s5+$0x0], $0xffff;
	v26 =	vadd.f32 v28, v26;
	v15 =	vsub.f32 v15, v1;
	v8 =	vmul.f32 $1.442695020e+00, v8;
	v24 =	vpop (erf)  }
0x130: {  	v14 =	vsub.f32 v14, v9;
	v7 =	vsub.f32 v17, v2;
	v5 =	vmul.f32 $7.500000000e-01, v12;
	v12 =	vld [tilespmem:s31+$0x30];
	v35 =	vpop (erf)  }
0x131: {  	v30 =	vld [tilespmem:s3+$0x60];
	v24 =	vadd.f32 $1.000000000e+00, v24;
	(erf) = vpow2.f32 v8;
	v8 =	vsub.f32 v16, v3;
	v37 =	vpop (erf)  }
0x132: {  	v63 =	vld.idx.msk [tilespmem:v33+s5+$0x0], $0xffff;
	v35 =	vadd.f32 $1.000000000e+00, v35;
	v19 =	vadd.f32 v10, v19;
	v17 =	vpop (erf)  }
0x133: {  	v16 =	vld.idx.msk [tilespmem:v29+s5+$0x0], $0xffff;
	(erf) = vrcp.f32 v24;
	v24 =	vsub.f32 v4, v36;
	v29 =	vadd.f32 $1.000000000e+00, v37;
	v62 =	vpop (erf)  }
0x134: {  	v4 =	vmul.f32 $7.500000000e-01, v20;
	(erf) = vrcp.f32 v35;
	v17 =	vadd.f32 $1.000000000e+00, v17;
	v27 =	vld.idx.msk [tilespmem:v27+s5+$0x0], $0xffff;
	v20 =	vpop (erf)  }
0x135: {  	v23 =	vld.idx.msk [tilespmem:v23+s5+$0x0], $0xffff;
	v10 =	vsub.f32 v18, v5;
	(erf) = vrcp.f32 v29;
	v20 =	vmul.f32 v20, v12  }
0x136: {  	v18 =	vld.idx.msk [tilespmem:v25+s5+$0x0], $0xffff;
	v22 =	vmul.f32 v22, v24;
	(erf) = vrcp.f32 v17;
	v24 =	vadd.f32 $1.000000000e+00, v62;
	v25 =	vpop (erf)  }
0x137: {  	v17 =	vld.idx.msk [tilespmem:v32+s5+$0x0], $0xffff;
	(erf) = vrcp.f32 v19;
	v25 =	vadd.f32 $1.000000000e+00, v25;
	v20 =	vmul.f32 $1.371428590e+01, v20  }
0x138: {  	v16 =	vadd.f32 v31, v16;
	v19 =	vmul.f32 $7.500000000e-01, v19;
	(erf) = vrcp.f32 v24  }
0x139: {  	v31 =	vld.idx.msk [tilespmem:v30+s5+$0x0], $0xffff;
	v21 =	vadd.f32 v21, v27;
	(erf) = vrcp.f32 v26;
	v27 =	vsub.f32 $1.428571410e+01, v20  }
0x13a: {  	v11 =	vsub.f32 v11, v0;
	v24 =	vld.idx.msk [tilespmem:v34+s5+$0x0], $0xffff;
	(erf) = vrcp.f32 v25;
	v20 =	vmul.f32 $7.500000000e-01, v26  }
0x13b: {  	v38 =	vld [tilespmem:s31+$0xFFFFFFD0];
	v23 =	vadd.f32 v63, v23;
	v25 =	vpop (erf);
	(erf) = vrcp.f32 v21;
	v26 =	vmul.f32 $1.442695020e+00, v27  }
0x13c: {  	v35 =	vld [tilespmem:s31+$0xFFFFFFC0];
	v18 =	vadd.f32 v17, v18;
	v30 =	vpop (erf);
	(erf) = vrcp.f32 v16;
	v25 =	vadd.f32 $1.000000000e+00, v25  }
0x13d: {  	v13 =	vsub.f32 v13, v4;
	v29 =	vld [tilespmem:s31+$0xFFFFFFE0];
	v21 =	vmul.f32 $7.500000000e-01, v21;
	v32 =	vpop (erf);
	(erf) = vpow2.f32 v26  }
0x13e: {  	v28 =	vld [tilespmem:s31+$0xFFFFFFF0];
	v36 =	vadd.f32 v22, v36;
	v17 =	vmul.f32 $7.500000000e-01, v18;
	v33 =	vpop (erf);
	(erf) = vrcp.f32 v18  }
0x13f: {  	v16 =	vmul.f32 $7.500000000e-01, v16;
	v27 =	vld [tilespmem:s31+$0x0];
	v34 =	vadd.f32 v31, v24;
	v22 =	vpop (erf);
	(erf) = vrcp.f32 v25  }
0x140: {  	s30 =	simm.s32 $0x1BF40;
	v24 =	vsub.f32 v38, v19;
	v30 =	vmul.f32 v30, v14;
	v26 =	vld [tilespmem:s31+$0x10];
	v25 =	vpop (erf);
	(erf) = vrcp.f32 v23  }
0x141: {  	s29 =	simm.s32 $0x1BF40;
	s0 =	simm.s32 $0x80;
	s3 =	simm.s32 $0x1A980;
	[tilespmem:s30+$0x30] =	vst v36;
	v14 =	vsub.f32 v35, v21;
	v18 =	vmul.f32 $7.500000000e-01, v23;
	v36 =	vmul.f32 v25, v38;
	v25 =	vld [tilespmem:s31+$0x20];
	v23 =	vpop (erf)  }
.LBB2_6:
0x142: {  	v37 =	vld [tilespmem:s3+$0xFFFFFFF0];
	v38 =	vsub.f32 v29, v20;
	v31 =	vmul.f32 $7.500000000e-01, v34;
	v39 =	vpop (erf);
	(erf) = vrcp.f32 v34  }
0x143: {  	s0 =	sadd.s32 $0x80, s0;
	v34 =	vld [tilespmem:s3+$0x70];
	v44 =	vmul.f32 $1.371428590e+01, v36;
	v29 =	vmul.f32 v39, v29;
	v39 =	vsub.f32 v28, v16;
	v40 =	vpop (erf)  }
0x144: {  	v15 =	vmul.f32 v32, v15;
	v32 =	vmul.f32 v33, v11;
	p1 =	slt.u32 s0, $0x780;
	v41 =	vld [tilespmem:s3+$0x0];
	v42 =	vsub.f32 v27, v17;
	v43 =	vpop (erf)  }
0x145: {  	v33 =	vld [tilespmem:s3+$0xFFFFFF90];
	v11 =	vmul.f32 v43, v35;
	v35 =	vsub.f32 $1.428571410e+01, v44;
	v29 =	vmul.f32 $1.371428590e+01, v29;
	v36 =	vpop (erf)  }
0x146: {  	v43 =	vld [tilespmem:s3+$0x10];
	v28 =	vmul.f32 v36, v28;
	v36 =	vsub.f32 v26, v18;
	v44 =	vsub.f32 v25, v31;
	v45 =	vpop (erf)  }
0x147: {  	v46 =	vld [tilespmem:s3+$0xFFFFFFA0];
	v50 =	vmul.f32 $1.371428590e+01, v11;
	v29 =	vsub.f32 $1.428571410e+01, v29;
	v45 =	vadd.f32 $1.000000000e+00, v45;
	v47 =	vpop (erf)  }
0x148: {  	v51 =	vadd.f32 v30, v9;
	v48 =	vld [tilespmem:s3+$0x20];
	v28 =	vmul.f32 $1.371428590e+01, v28;
	v27 =	vmul.f32 v47, v27;
	v30 =	vpop (erf)  }
0x149: {  	v35 =	vmul.f32 $1.442695020e+00, v35;
	v47 =	vld [tilespmem:s3+$0xFFFFFFB0];
	v49 =	vsub.f32 $1.428571410e+01, v50;
	v11 =	vpop (erf);
	(erf) = vrcp.f32 v45  }
0x14a: {  	v37 =	vld.idx.msk [tilespmem:v37+s5+$0x0], $0xffff;
	v28 =	vsub.f32 $1.428571410e+01, v28;
	v27 =	vmul.f32 $1.371428590e+01, v27;
	v26 =	vmul.f32 v11, v26;
	[tilespmem:s30+$0xFFFFFFC0] =	vst v51;
	v11 =	vmovc v38  }
0x14b: {  	v29 =	vmul.f32 $1.442695020e+00, v29;
	v34 =	vld.idx.msk [tilespmem:v34+s5+$0x0], $0xffff;
	v38 =	vmul.f32 $1.442695020e+00, v49;
	v9 =	vpop (erf);
	v49 =	vadd.f32 v15, v1  }
0x14c: {  	v1 =	vmovc v19;
	v45 =	vld [tilespmem:s3+$0x30];
	v27 =	vsub.f32 $1.428571410e+01, v27;
	v26 =	vmul.f32 $1.371428590e+01, v26;
	v25 =	vmul.f32 v9, v25;
	v9 =	vmovc v21  }
0x14d: {  	v15 =	vmovc v24;
	v21 =	vmul.f32 $1.442695020e+00, v28;
	v28 =	vadd.f32 v32, v0;
	v0 =	vmovc v20;
	v19 =	vld [tilespmem:s3+$0xFFFFFFC0];
	(erf) = vpow2.f32 v38;
	[tilespmem:s30+$0xFFFFFFD0] =	vst v49  }
0x14e: {  	v20 =	vld [tilespmem:s3+$0x40];
	v24 =	vsub.f32 $1.428571410e+01, v26;
	v25 =	vmul.f32 $1.371428590e+01, v25;
	(erf) = vpow2.f32 v35  }
0x14f: {  	v32 =	vmul.f32 $7.500000000e-01, v6;
	v35 =	vmul.f32 $1.442695020e+00, v27;
	v26 =	vld [tilespmem:s3+$0xFFFFFFD0];
	[tilespmem:s30+$0xFFFFFFE0] =	vst v28  }
0x150: {  	v28 =	vld [tilespmem:s3+$0x50];
	v24 =	vmul.f32 $1.442695020e+00, v24;
	v25 =	vsub.f32 $1.428571410e+01, v25;
	(erf) = vpow2.f32 v29  }
0x151: {  	v12 =	vsub.f32 v12, v32;
	v6 =	vadd.f32 v34, v37;
	v29 =	vld [tilespmem:s3+$0xFFFFFFE0];
	(erf) = vpow2.f32 v21  }
0x152: {  	v21 =	vld [tilespmem:s3+$0x60];
	v25 =	vmul.f32 $1.442695020e+00, v25;
	(erf) = vpow2.f32 v35;
	v27 =	vpop (erf)  }
0x153: {  	v34 =	vld [tilespmem:s3+$0xFFFFFF80];
	(erf) = vrcp.f32 v6;
	v12 =	vmul.f32 v27, v12  }
0x154: {  	v22 =	vmul.f32 v22, v8;
	v8 =	vmov v39;
	v27 =	vld.idx.msk [tilespmem:v41+s5+$0x0], $0xffff;
	(erf) = vpow2.f32 v24  }
0x155: {  	v23 =	vmul.f32 v23, v7;
	v7 =	vmovc v42;
	v24 =	vld.idx.msk [tilespmem:v33+s5+$0x0], $0xffff;
	v12 =	vadd.f32 v12, v32;
	(erf) = vpow2.f32 v25  }
0x156: {  	v30 =	vmul.f32 v30, v13;
	s30 =	sadd.s32 $0x80, s30;
	v37 =	vadd.f32 v22, v3;
	v22 =	vmul.f32 v40, v10;
	v25 =	vld.idx.msk [tilespmem:v43+s5+$0x0], $0xffff;
	v32 =	vpop (erf)  }
0x157: {  	s31 =	sadd.s32 $0x80, s31;
	v23 =	vadd.f32 v23, v2;
	v10 =	vmov v36;
	v33 =	vld.idx.msk [tilespmem:v46+s5+$0x0], $0xffff;
	v32 =	vadd.f32 $1.000000000e+00, v32;
	[tilespmem:s30+$0x30] =	vst v12;
	v13 =	vpop (erf)  }
0x158: {  	v2 =	vmovc v17;
	v3 =	vmovc v16;
	v36 =	vadd.f32 v22, v5;
	v12 =	vld [tilespmem:s31+$0x30];
	v35 =	vadd.f32 $1.000000000e+00, v13;
	[tilespmem:s29+$0xFFFFFFF0] =	vst v37;
	v13 =	vmov v44  }
0x159: {  	v22 =	vadd.f32 v30, v4;
	v4 =	vmov v31;
	v16 =	vld.idx.msk [tilespmem:v48+s5+$0x0], $0xffff;
	(erf) = vrcp.f32 v32;
	v17 =	vpop (erf);
	[tilespmem:s29+$0x0] =	vst v23  }
0x15a: {  	v5 =	vmov v18;
	v23 =	vld.idx.msk [tilespmem:v47+s5+$0x0], $0xffff;
	v17 =	vadd.f32 $1.000000000e+00, v17;
	(erf) = vrcp.f32 v35;
	v30 =	vpop (erf);
	[tilespmem:s29+$0x10] =	vst v36  }
0x15b: {  	v18 =	vld.idx.msk [tilespmem:v34+s5+$0x0], $0xffff;
	v32 =	vadd.f32 $1.000000000e+00, v30;
	v31 =	vpop (erf);
	[tilespmem:s29+$0x20] =	vst v22;
	s29 =	smov.u32 s30  }
0x15c: {  	v22 =	vadd.f32 v25, v24;
	v24 =	vld.idx.msk [tilespmem:v45+s5+$0x0], $0xffff;
	v25 =	vpop (erf);
	v31 =	vadd.f32 $1.000000000e+00, v31;
	(erf) = vrcp.f32 v17  }
0x15d: {  	v17 =	vld.idx.msk [tilespmem:v19+s5+$0x0], $0xffff;
	v25 =	vmul.f32 v25, v12;
	(erf) = vrcp.f32 v32;
	v30 =	vpop (erf)  }
0x15e: {  	v19 =	vmul.f32 $7.500000000e-01, v22;
	v34 =	vld.idx.msk [tilespmem:v20+s5+$0x0], $0xffff;
	(erf) = vrcp.f32 v22;
	v22 =	vadd.f32 $1.000000000e+00, v30;
	v20 =	vpop (erf)  }
0x15f: {  	v16 =	vadd.f32 v16, v33;
	v26 =	vld.idx.msk [tilespmem:v26+s5+$0x0], $0xffff;
	v25 =	vmul.f32 $1.371428590e+01, v25;
	v36 =	vadd.f32 $1.000000000e+00, v20  }
0x160: {  	v30 =	vld.idx.msk [tilespmem:v28+s5+$0x0], $0xffff;
	(erf) = vrcp.f32 v31  }
0x161: {  	v18 =	vadd.f32 v27, v18;
	v31 =	vld.idx.msk [tilespmem:v29+s5+$0x0], $0xffff;
	v25 =	vsub.f32 $1.428571410e+01, v25;
	(erf) = vrcp.f32 v16  }
0x162: {  	v20 =	vmul.f32 $7.500000000e-01, v16;
	v16 =	vadd.f32 v24, v23;
	v23 =	vld.idx.msk [tilespmem:v21+s5+$0x0], $0xffff;
	v24 =	vpop (erf);
	(erf) = vrcp.f32 v22  }
0x163: {  	v35 =	vld [tilespmem:s31+$0xFFFFFFC0];
	v27 =	vmul.f32 $1.442695020e+00, v25;
	(erf) = vrcp.f32 v18;
	v32 =	vpop (erf)  }
0x164: {  	v21 =	vmul.f32 $7.500000000e-01, v18;
	v18 =	vadd.f32 v34, v17;
	v25 =	vld [tilespmem:s31+$0xFFFFFFD0];
	(erf) = vrcp.f32 v16  }
.Ltmp6:
0x165: {  	v16 =	vmul.f32 $7.500000000e-01, v16;
	v29 =	vld [tilespmem:s31+$0xFFFFFFE0];
	(erf) = vpow2.f32 v27;
	v33 =	vpop (erf);
	(pc) =	sbr.rel @p1 .LBB2_6-.Ltmp6, $4  }
0x166: {  	v17 =	vmul.f32 $7.500000000e-01, v18;
	v37 =	vadd.f32 v30, v26;
	v28 =	vld [tilespmem:s31+$0xFFFFFFF0];
	(erf) = vrcp.f32 v18;
	v22 =	vpop (erf)  }
0x167: {  	v30 =	vmul.f32 v24, v14;
	v27 =	vld [tilespmem:s31+$0x0];
	v38 =	vpop (erf);
	(erf) = vrcp.f32 v36  }
0x168: {  	v18 =	vmul.f32 $7.500000000e-01, v37;
	v34 =	vadd.f32 v23, v31;
	v26 =	vld [tilespmem:s31+$0x10];
	(erf) = vrcp.f32 v37  }
0x169: {  	s3 =	sadd.s32 $0x100, s3;
	v14 =	vsub.f32 v35, v21;
	v36 =	vmul.f32 v38, v25;
	v24 =	vsub.f32 v25, v19;
	v25 =	vld [tilespmem:s31+$0x20];
	v23 =	vpop (erf)  }
0x16a: {  	v31 =	vpop (erf)  }
0x16b: {  	(erf) = vrcp.f32 v34;
	v37 =	vpop (erf)  }
0x16c: {  	v38 =	vpop (erf)  }
0x16d: {  	v35 =	vmul.f32 v38, v35;
	_ =	sdelay $0x1  }
0x16e: {  	v31 =	vmul.f32 v31, v29;
	v49 =	vpop (erf);
	v35 =	vmul.f32 $1.371428590e+01, v35  }
0x16f: {  	v36 =	vmul.f32 $1.371428590e+01, v36;
	v38 =	vmul.f32 v49, v28;
	v39 =	vpop (erf)  }
0x170: {  	v31 =	vmul.f32 $1.371428590e+01, v31;
	v39 =	vadd.f32 $1.000000000e+00, v39;
	v40 =	vpop (erf);
	v35 =	vsub.f32 $1.428571410e+01, v35  }
0x171: {  	v38 =	vmul.f32 $1.371428590e+01, v38;
	v41 =	vpop (erf);
	v40 =	vmul.f32 v40, v27  }
0x172: {  	(erf) = vrcp.f32 v39;
	v50 =	vpop (erf);
	v35 =	vmul.f32 $1.442695020e+00, v35  }
0x173: {  	v36 =	vsub.f32 $1.428571410e+01, v36;
	v39 =	vmul.f32 v50, v26;
	v40 =	vmul.f32 $1.371428590e+01, v40;
	v51 =	vpop (erf)  }
0x174: {  	v31 =	vsub.f32 $1.428571410e+01, v31;
	(erf) = vpow2.f32 v35;
	v35 =	vmul.f32 v51, v25  }
0x175: {  	v36 =	vmul.f32 $1.442695020e+00, v36;
	v38 =	vsub.f32 $1.428571410e+01, v38;
	v39 =	vmul.f32 $1.371428590e+01, v39  }
0x176: {  	v31 =	vmul.f32 $1.442695020e+00, v31;
	v40 =	vsub.f32 $1.428571410e+01, v40;
	v35 =	vmul.f32 $1.371428590e+01, v35  }
0x177: {  	v38 =	vmul.f32 $1.442695020e+00, v38;
	v39 =	vsub.f32 $1.428571410e+01, v39;
	(erf) = vpow2.f32 v36  }
0x178: {  	v52 =	vmul.f32 $1.442695020e+00, v40;
	(erf) = vpow2.f32 v31;
	v35 =	vsub.f32 $1.428571410e+01, v35  }
0x179: {  	v53 =	vmul.f32 $1.442695020e+00, v39;
	(erf) = vpow2.f32 v38  }
0x17a: {  	(erf) = vpow2.f32 v52;
	v35 =	vmul.f32 $1.442695020e+00, v35  }
0x17b: {  	(erf) = vpow2.f32 v53  }
0x17c: {  	(erf) = vpow2.f32 v35;
	_ =	sdelay $0x1  }
0x17d: {  	v54 =	vpop (erf)  }
0x17e: {  	v55 =	vpop (erf)  }
0x17f: {  	v35 =	vadd.f32 $1.000000000e+00, v55;
	v56 =	vpop (erf)  }
0x180: {  	v36 =	vadd.f32 $1.000000000e+00, v56;
	v57 =	vpop (erf)  }
0x181: {  	(erf) = vrcp.f32 v35;
	v58 =	vadd.f32 $1.000000000e+00, v57;
	v59 =	vpop (erf)  }
0x182: {  	v15 =	vmul.f32 v32, v15;
	(erf) = vrcp.f32 v36;
	v35 =	vadd.f32 $1.000000000e+00, v59;
	v60 =	vpop (erf)  }
0x183: {  	v6 =	vmul.f32 $7.500000000e-01, v6;
	v61 =	vadd.f32 $1.000000000e+00, v60;
	(erf) = vrcp.f32 v58;
	v62 =	vpop (erf)  }
0x184: {  	v11 =	vmul.f32 v33, v11;
	(erf) = vrcp.f32 v35;
	v32 =	vadd.f32 $1.000000000e+00, v62;
	v63 =	vpop (erf)  }
0x185: {  	v9 =	vadd.f32 v30, v9;
	(erf) = vrcp.f32 v61;
	v35 =	vadd.f32 $1.000000000e+00, v63  }
0x186: {  	v1 =	vadd.f32 v15, v1;
	v43 =	vmul.f32 v41, v13;
	(erf) = vrcp.f32 v32  }
0x187: {  	v8 =	vmul.f32 v22, v8;
	[tilespmem:s30+$0xFFFFFFC0] =	vst v9;
	v0 =	vadd.f32 v11, v0;
	(erf) = vrcp.f32 v35  }
0x188: {  	v12 =	vsub.f32 v12, v6;
	[tilespmem:s30+$0xFFFFFFD0] =	vst v1;
	v50 =	vadd.f32 v43, v4;
	v40 =	vmul.f32 v37, v10  }
0x189: {  	[tilespmem:s30+$0xFFFFFFE0] =	vst v0;
	v38 =	vmul.f32 v23, v7;
	v39 =	vadd.f32 v8, v3  }
0x18a: {  	v42 =	vsub.f32 v29, v20;
	[tilespmem:s29+$0x20] =	vst v50;
	v47 =	vadd.f32 v40, v5;
	v12 =	vmul.f32 v54, v12;
	v45 =	vpop (erf)  }
0x18b: {  	v46 =	vmul.f32 $7.500000000e-01, v34;
	v44 =	vadd.f32 v38, v2;
	[tilespmem:s29+$0xFFFFFFF0] =	vst v39;
	v48 =	vpop (erf);
	v2 =	vmul.f32 v45, v14  }
0x18c: {  	v49 =	vsub.f32 v28, v16;
	[tilespmem:s29+$0x10] =	vst v47;
	v36 =	vadd.f32 v12, v6;
	v51 =	vpop (erf);
	v3 =	vmul.f32 v48, v24  }
0x18d: {  	s0 =	sadd.s32 $0x80, s30;
	v52 =	vsub.f32 v27, v17;
	[tilespmem:s29+$0x0] =	vst v44;
	v53 =	vpop (erf);
	v4 =	vmul.f32 v51, v42;
	v2 =	vadd.f32 v2, v21  }
0x18e: {  	v54 =	vsub.f32 v26, v18;
	[tilespmem:s0+$0x30] =	vst v36;
	v55 =	vpop (erf);
	v3 =	vadd.f32 v3, v19;
	v0 =	vmul.f32 v53, v49  }
0x18f: {  	v56 =	vsub.f32 v25, v46;
	v57 =	vpop (erf);
	[tilespmem:s0+$0xFFFFFFC0] =	vst v2;
	v58 =	vadd.f32 v4, v20;
	v1 =	vmul.f32 v55, v52  }
0x190: {  	[tilespmem:s0+$0xFFFFFFD0] =	vst v3;
	v0 =	vadd.f32 v0, v16;
	v60 =	vmul.f32 v57, v54;
	v59 =	vpop (erf)  }
0x191: {  	[tilespmem:s0+$0xFFFFFFE0] =	vst v58;
	v1 =	vadd.f32 v1, v17;
	v61 =	vmul.f32 v59, v56  }
.Ltmp7:
0x192: {  	[tilespmem:s0+$0xFFFFFFF0] =	vst v0;
	v62 =	vadd.f32 v60, v18;
	(pc) =	sbr.rel .LBB2_8-.Ltmp7, $4  }
0x193: {  	[tilespmem:s0+$0x0] =	vst v1;
	v63 =	vadd.f32 v61, v46  }
0x194: {  	s3 =	sshll.u32 s28, $0x8;
	[tilespmem:s0+$0x10] =	vst v62  }
0x195: {  	s31 =	sadd.s32 s4, s3;
	[tilespmem:s0+$0x20] =	vst v63  }
0x196: {  	[hbm4b:s31+s5] =	stream.linear.scatter [tilespmem:s22], [sflag:$0x4], $0x800, $0x38;
	[tilespmem:$0x1C700] =	vst v63  }
.LBB2_10:
0x197: {  	_ =	sfence.sel $0x180000  }
0x198: {  	[bflag:$0x0] =	sbarrier.arrive $0xFFFF  }
0x199: {  	_ =	strace $0x90000047  }
0x19a: {  	s0 =	stileid.u32;
	[bflag:$0x2] =	sbarrier.arrive $0xFFFF  }
0x19b: {  	p0 =	sne.s32 s0, $0x0;
	s0 =	rddreg [dreg:$0x4]  }
0x19c: {  	s0 =	sadd.s32 @!p0 $0x100000, s0  }
0x19d: {  	[sflag:s0] =	ssyncadd.tile.s32 @!p0 $0x1;
	_ =	shalt  }
.Lfunc_end2:
_tile_overlayer_lowered:
.L_overlay_start_2:
0x19e: {  	(tag) =	ssettag $0x2  }
0x19f: {  	s0 =	rddreg [dreg:$0x0];
	s2 =	stileid.u32  }
0x1a0: {  	s1 =	rddreg [dreg:$0x1];
	p0 =	sne.s32 s2, $0x0  }
0x1a1: {  	s3 =	rddreg [dreg:$0x2];
	[bflag:$0x3] =	sbarrier.arrive $0xFFFF;
	s2 =	simm.s32 @!p0 $0x1C05  }
0x1a2: {  	[timem:s3], [sflag:s2] =	dma.local @!p0 [hbm:s0], s1  }
0x1a3: {  	s0 =	simm.s32 @!p0 $0x5  }
0x1a4: {  	_ =	swait.ge @!p0 [sflag:s0], s1  }
0x1a5: {  	s1 =	ssub.s32 @!p0 $0x0, s1;
	[sflag:s0] =	ssyncset.done @!p0 $0x0  }
0x1a6: {  	[sflag:s0] =	ssyncadd.s32 @!p0 s1  }
0x1a7: {  	[bflag:$0x3] =	sbarrier.arrive $0xFFFF  }
0x1a8: {  	_ =	shalt  }

</sc_bundles>
